<compile_context>
chip_gen: v7x
topology: tpu7x:2x2x1
jax: 0.10.2.dev20260603
libtpu: 0.0.44.dev20260713+nightly
codegen_flags: <defaults>
</compile_context>

<pallas_src>
import functools

import jax
import jax.numpy as jnp
from jax import lax
from jax.experimental import pallas as pl
from jax.experimental.pallas import tpu as pltpu
from jax.experimental.pallas import tpu_sc as plsc

_B = 65536
_M = 1000
_MP = 1024
_NC = 2
_NS = 16
_NW = _NC * _NS
_L = 16
_CHUNK = _B // _NW
_ITERS = _CHUNK // _L
_NR = 8
_HW = _NR * _MP

_CLIP = 0.2
_VLOSS_COEF = 0.5
_ENT_COEF = 0.01
_LAMBDA = 1.0


def _sc_body(alp_h, act_h, hist_out, alp_v, act_v, lh_v, red_v, sem):
    wid = lax.axis_index("s") * _NC + lax.axis_index("c")
    base = wid * _CHUNK

    copies = [
        pltpu.async_copy(alp_h.at[pl.ds(base, _CHUNK)], alp_v, sem),
        pltpu.async_copy(act_h.at[pl.ds(base, _CHUNK)], act_v, sem),
    ]

    @plsc.parallel_loop(0, (2 * _HW) // (_L * 8), unroll=2)
    def zbody(i):
        b = i * (_L * 8)
        z = jnp.zeros((_L,), jnp.float32)
        for k in range(8):
            lh_v[pl.ds(b + k * _L, _L)] = z

    for c in copies:
        c.wait()

    @plsc.parallel_loop(0, _ITERS, unroll=2)
    def body(i):
        sl = pl.ds(i * _L, _L)
        a = alp_v[sl]
        w = (jnp.abs(a) > 1e-8).astype(jnp.float32)
        lane = lax.iota(jnp.int32, _L)
        grp = lane // _NR
        idx = act_v[sl] + (lane & (_NR - 1)) * _MP
        aw = a * w
        for g in range(_L // _NR):
            m = grp == g
            plsc.addupdate_scatter(lh_v, [idx], aw, mask=m)
            plsc.addupdate_scatter(lh_v, [idx + _HW], w, mask=m)

    @plsc.parallel_loop(0, _MP // _L, unroll=2)
    def rbody(c):
        b = c * _L
        s = jnp.zeros((_L,), jnp.float32)
        t = jnp.zeros((_L,), jnp.float32)
        for r in range(_NR):
            s = s + lh_v[pl.ds(r * _MP + b, _L)]
            t = t + lh_v[pl.ds(_HW + r * _MP + b, _L)]
        red_v[0, pl.ds(b, _L)] = s
        red_v[1, pl.ds(b, _L)] = t

    pltpu.sync_copy(red_v, hist_out.at[wid])


_sc_scan = functools.partial(
    pl.kernel,
    out_type=jax.ShapeDtypeStruct((_NW, 2, _MP), jnp.float32),
    mesh=plsc.VectorSubcoreMesh(core_axis_name="c", subcore_axis_name="s"),
    scratch_types=[
        pltpu.VMEM((_CHUNK,), jnp.float32),
        pltpu.VMEM((_CHUNK,), jnp.int32),
        pltpu.VMEM((2 * _HW,), jnp.float32),
        pltpu.VMEM((2, _MP), jnp.float32),
        pltpu.SemaphoreType.DMA,
    ],
    compiler_params=pltpu.CompilerParams(needs_layout_passes=False),
)(_sc_body)


def _tc_elem_body(alp_ref, oalp_ref, adv_ref, val_ref, vp_ref, ret_ref,
                  out_ref):
    a = alp_ref[...]
    ratio = jnp.exp(a - oalp_ref[...])
    ad = adv_ref[...]
    s1 = ratio * ad
    s2 = jnp.clip(ratio, 1.0 - _CLIP, 1.0 + _CLIP) * ad
    acc1 = jnp.sum(jnp.minimum(s1, s2))
    v = val_ref[...]
    vp = vp_ref[...]
    r = ret_ref[...]
    vpc = vp + jnp.clip(v - vp, -_CLIP, _CLIP)
    dl = v - r
    dc = vpc - r
    acc2 = jnp.sum(jnp.maximum(dl * dl, dc * dc))
    out_ref[...] = jnp.concatenate(
        (jnp.broadcast_to(acc1, (1, 1)), jnp.broadcast_to(acc2, (1, 1))),
        axis=1)


_tc_elem = pl.pallas_call(
    _tc_elem_body,
    out_shape=jax.ShapeDtypeStruct((1, 2), jnp.float32),
)


def _tc_fin_body(hist_ref, accs_ref, sev_ref, ent_ref, out_ref):
    tot = jnp.sum(hist_ref[...], axis=0)
    su = tot[0, :]
    cn = tot[1, :]
    present = cn > 0.0
    avg = jnp.where(present, su / jnp.maximum(cn, 1.0), -jnp.inf)

    colv = lax.broadcast_in_dim(avg, (_MP, _MP), (0,))
    rowv = lax.broadcast_in_dim(avg, (_MP, _MP), (1,))
    gtf = (colv > rowv).astype(jnp.float32)
    rank = jnp.dot(jnp.ones((1, _MP), jnp.float32), gtf,
                   preferred_element_type=jnp.float32)[0, :] + 1.0

    sev = sev_ref[0, :]
    pen = jnp.where(present[:_M], sev / rank[:_M], 0.0)
    total_pen = jnp.sum(pen)
    presn = jnp.sum(present.astype(jnp.float32))
    pen_norm = total_pen / jnp.maximum(presn, 1.0)

    action_loss = -accs_ref[0, 0] / _B
    value_loss = 0.5 * accs_ref[0, 1] / _B

    ent = ent_ref[0, 0]
    res = (value_loss * _VLOSS_COEF + action_loss
           - ent * _ENT_COEF + _LAMBDA * pen_norm)
    out_ref[...] = jnp.broadcast_to(res, (1, 1))


_tc_finish = pl.pallas_call(
    _tc_fin_body,
    out_shape=jax.ShapeDtypeStruct((1, 1), jnp.float32),
)


def kernel(action_log_probs, old_action_log_probs, adv_targ, values,
           value_preds, returns, dist_entropy, severities, actions):
    hist = _sc_scan(action_log_probs, actions.astype(jnp.int32))
    sh = (_B // 128, 128)
    accs = _tc_elem(action_log_probs.reshape(sh),
                    old_action_log_probs.reshape(sh),
                    adv_targ.reshape(sh), values.reshape(sh),
                    value_preds.reshape(sh), returns.reshape(sh))
    out = _tc_finish(hist, accs, severities.reshape(1, _M),
                     dist_entropy.reshape(1, 1))
    return out[0, 0]

# --- scband reference (transcript-rebuilt; emitter-appended) ---
"""Pipeline reference for scband-ppo-10771777978674 (READ-ONLY COPY).

The authoritative reference and input builder live on the scoring server;
editing this copy changes nothing except your own understanding.
"""

import jax, jax.numpy as jnp
import numpy as np

CLIP_PARAM = 0.2
VALUE_LOSS_COEF = 0.5
ENTROPY_COEF = 0.01
LAGRANGE_LAMBDA = 1.0
B = 65536
M = 1000


def setup_inputs(seed: int = 0) -> dict:
    key = jax.random.key(seed)
    ks = jax.random.split(key, 9)
    return {
        'action_log_probs': jax.random.normal(ks[0], (B,), dtype=jnp.float32) * 0.5,
        'old_action_log_probs': jax.random.normal(ks[1], (B,), dtype=jnp.float32) * 0.5,
        'adv_targ': jax.random.normal(ks[2], (B,), dtype=jnp.float32),
        'values': jax.random.normal(ks[3], (B,), dtype=jnp.float32),
        'value_preds': jax.random.normal(ks[4], (B,), dtype=jnp.float32),
        'returns': jax.random.normal(ks[5], (B,), dtype=jnp.float32),
        'dist_entropy': jax.random.uniform(ks[6], (), dtype=jnp.float32),
        'severities': jax.random.uniform(ks[7], (M,), dtype=jnp.float32),
        'actions': jax.random.randint(ks[8], (B,), 0, M),
    }


def reference(action_log_probs, old_action_log_probs, adv_targ, values, value_preds, returns, dist_entropy, severities, actions):
    # PPO clipped surrogate (cur_lrmult taken as 1 for the first update)
    ratio = jnp.exp(action_log_probs - old_action_log_probs)
    surr1 = ratio * adv_targ
    surr2 = jnp.clip(ratio, 1.0 - CLIP_PARAM, 1.0 + CLIP_PARAM) * adv_targ
    action_loss = -jnp.minimum(surr1, surr2).mean()

    # Clipped value loss
    value_pred_clipped = value_preds + jnp.clip(values - value_preds, -CLIP_PARAM, CLIP_PARAM)
    value_losses = (values - returns) ** 2
    value_losses_clipped = (value_pred_clipped - returns) ** 2
    value_loss = 0.5 * jnp.maximum(value_losses, value_losses_clipped).mean()

    # Severity-ranked lagrangian penalty
    # non-zero mask as in torch: ~isclose(log_probs, 0)
    w = jax.lax.stop_gradient((~jnp.isclose(action_log_probs, 0.0)).astype(jnp.float32))
    n_actions = severities.shape[0]
    # scatter-add per-action log-prob sums and counts (equiv. to unique + index_add_)
    prob_sums = jnp.zeros((n_actions,), dtype=jnp.float32).at[actions].add(action_log_probs * w)
    counts = jnp.zeros((n_actions,), dtype=jnp.float32).at[actions].add(w)
    present = counts > 0
    average_log_probs = prob_sums / jnp.maximum(counts, 1.0)
    # absent actions sink to the bottom of the descending sort
    average_log_probs = jnp.where(present, average_log_probs, -jnp.inf)
    order = jnp.argsort(-average_log_probs)
    sorted_actions = order  # unique sorted action ids == arange(M); permuted by rank
    indexed_severity_scores = severities[sorted_actions]
    present_sorted = present[sorted_actions].astype(jnp.float32)
    ranks = jnp.arange(1, n_actions + 1, dtype=jnp.float32)
    penalties = indexed_severity_scores / ranks * present_sorted
    total_penalty = penalties.sum()
    total_pen_norm = total_penalty / jnp.maximum(present.sum().astype(jnp.float32), 1.0)

    ppo_loss = value_loss * VALUE_LOSS_COEF + action_loss - dist_entropy * ENTROPY_COEF
    ppo_lagrange_loss = ppo_loss + LAGRANGE_LAMBDA * total_pen_norm
    return ppo_lagrange_loss

if __name__ == "__main__":
    import jax
    _d = setup_inputs()
    print(jax.jit(kernel)(*tuple(_d.values())))

</pallas_src>

<mosaic_0001>
#map = affine_map<(d0, d1) -> (0)>
#map1 = affine_map<(d0, d1) -> (0, 0, 0)>
module attributes {stable_mosaic.version = 14 : i64} {
  func.func @_sc_body(%arg0: i32, %arg1: i32, %arg2: memref<65536xf32, #tpu.memory_space<hbm>>, %arg3: memref<65536xi32, #tpu.memory_space<hbm>>, %arg4: memref<32x2x1024xf32, #tpu.memory_space<hbm>>, %arg5: memref<2048xf32, #tpu.memory_space<vmem>>, %arg6: memref<2048xi32, #tpu.memory_space<vmem>>, %arg7: memref<16384xf32, #tpu.memory_space<vmem>>, %arg8: memref<2x1024xf32, #tpu.memory_space<vmem>>, %arg9: memref<!tpu.dma_semaphore, #tpu.memory_space<semaphore_mem>>) attributes {dimension_semantics = [#tpu.dimension_semantics<core_parallel>, #tpu.dimension_semantics<subcore_parallel>], iteration_bounds = array<i64: 2, 16>, scalar_prefetch = 0 : i64, scratch_operands = 5 : i64, tpu.core_type = #tpu.core_type<sc_vector_subcore>, window_params = [{transform_indices = #map}, {transform_indices = #map}, {transform_indices = #map1}]} {
    %mul3A = arith.constant 2 : i32
    %mul3A_0 = arith.muli %arg1, %mul3A : i32
    %add3A = arith.addi %mul3A_0, %arg0 : i32
    %mul3A_1 = arith.constant 2048 : i32
    %mul3A_2 = arith.muli %add3A, %mul3A_1 : i32
    %dma_start3A = tpu.memref_slice %arg2[%mul3A_2] : memref<65536xf32, #tpu.memory_space<hbm>> -> memref<2048xf32, #tpu.memory_space<hbm>>
    %dma_start3A_3 = tpu.memref_slice %arg2[%mul3A_2] : memref<65536xf32, #tpu.memory_space<hbm>> -> memref<2048xf32, #tpu.memory_space<hbm>>
    tpu.enqueue_dma source(%dma_start3A_3 : memref<2048xf32, #tpu.memory_space<hbm>>) target(%arg5 : memref<2048xf32, #tpu.memory_space<vmem>>) target_semaphore(%arg9 : memref<!tpu.dma_semaphore, #tpu.memory_space<semaphore_mem>>)
    %dma_start3A_4 = tpu.memref_slice %arg3[%mul3A_2] : memref<65536xi32, #tpu.memory_space<hbm>> -> memref<2048xi32, #tpu.memory_space<hbm>>
    %dma_start3A_5 = tpu.memref_slice %arg3[%mul3A_2] : memref<65536xi32, #tpu.memory_space<hbm>> -> memref<2048xi32, #tpu.memory_space<hbm>>
    tpu.enqueue_dma source(%dma_start3A_5 : memref<2048xi32, #tpu.memory_space<hbm>>) target(%arg6 : memref<2048xi32, #tpu.memory_space<vmem>>) target_semaphore(%arg9 : memref<!tpu.dma_semaphore, #tpu.memory_space<semaphore_mem>>)
    %parallel_loop3A = arith.constant 0 : i32
    %parallel_loop3A_6 = arith.constant 128 : i32
    %parallel_loop3A_7 = arith.constant 1 : i32
    scf.for %parallel_loop3A_17 = %parallel_loop3A to %parallel_loop3A_6 step %parallel_loop3A_7  : i32 {
      %parallel_loop3A_18 = arith.constant 128 : i32
      %parallel_loop3A_19 = arith.muli %parallel_loop3A_17, %parallel_loop3A_18 : i32
      %parallel_loop3A_20 = arith.constant 0.000000e+00 : f32
      %parallel_loop3A_21 = vector.broadcast %parallel_loop3A_20 : f32 to vector<16xf32>
      %parallel_loop3A_22 = arith.constant 0 : i32
      %parallel_loop3A_23 = arith.addi %parallel_loop3A_19, %parallel_loop3A_22 : i32
      %parallel_loop3A_24 = arith.index_cast %parallel_loop3A_23 : i32 to index
      %parallel_loop3A_25 = tpu.vector_load %arg7[%parallel_loop3A_24] {strides = array<i32>} : memref<16384xf32, #tpu.memory_space<vmem>>, vector<16xf32>,
      tpu.vector_store %arg7[%parallel_loop3A_24], %parallel_loop3A_21 {strides = array<i32>} : memref<16384xf32, #tpu.memory_space<vmem>>, vector<16xf32>,
      %parallel_loop3A_26 = arith.constant 16 : i32
      %parallel_loop3A_27 = arith.addi %parallel_loop3A_19, %parallel_loop3A_26 : i32
      %parallel_loop3A_28 = arith.index_cast %parallel_loop3A_27 : i32 to index
      %parallel_loop3A_29 = tpu.vector_load %arg7[%parallel_loop3A_28] {strides = array<i32>} : memref<16384xf32, #tpu.memory_space<vmem>>, vector<16xf32>,
      tpu.vector_store %arg7[%parallel_loop3A_28], %parallel_loop3A_21 {strides = array<i32>} : memref<16384xf32, #tpu.memory_space<vmem>>, vector<16xf32>,
      %parallel_loop3A_30 = arith.constant 32 : i32
      %parallel_loop3A_31 = arith.addi %parallel_loop3A_19, %parallel_loop3A_30 : i32
      %parallel_loop3A_32 = arith.index_cast %parallel_loop3A_31 : i32 to index
      %parallel_loop3A_33 = tpu.vector_load %arg7[%parallel_loop3A_32] {strides = array<i32>} : memref<16384xf32, #tpu.memory_space<vmem>>, vector<16xf32>,
      tpu.vector_store %arg7[%parallel_loop3A_32], %parallel_loop3A_21 {strides = array<i32>} : memref<16384xf32, #tpu.memory_space<vmem>>, vector<16xf32>,
      %parallel_loop3A_34 = arith.constant 48 : i32
      %parallel_loop3A_35 = arith.addi %parallel_loop3A_19, %parallel_loop3A_34 : i32
      %parallel_loop3A_36 = arith.index_cast %parallel_loop3A_35 : i32 to index
      %parallel_loop3A_37 = tpu.vector_load %arg7[%parallel_loop3A_36] {strides = array<i32>} : memref<16384xf32, #tpu.memory_space<vmem>>, vector<16xf32>,
      tpu.vector_store %arg7[%parallel_loop3A_36], %parallel_loop3A_21 {strides = array<i32>} : memref<16384xf32, #tpu.memory_space<vmem>>, vector<16xf32>,
      %parallel_loop3A_38 = arith.constant 64 : i32
      %parallel_loop3A_39 = arith.addi %parallel_loop3A_19, %parallel_loop3A_38 : i32
      %parallel_loop3A_40 = arith.index_cast %parallel_loop3A_39 : i32 to index
      %parallel_loop3A_41 = tpu.vector_load %arg7[%parallel_loop3A_40] {strides = array<i32>} : memref<16384xf32, #tpu.memory_space<vmem>>, vector<16xf32>,
      tpu.vector_store %arg7[%parallel_loop3A_40], %parallel_loop3A_21 {strides = array<i32>} : memref<16384xf32, #tpu.memory_space<vmem>>, vector<16xf32>,
      %parallel_loop3A_42 = arith.constant 80 : i32
      %parallel_loop3A_43 = arith.addi %parallel_loop3A_19, %parallel_loop3A_42 : i32
      %parallel_loop3A_44 = arith.index_cast %parallel_loop3A_43 : i32 to index
      %parallel_loop3A_45 = tpu.vector_load %arg7[%parallel_loop3A_44] {strides = array<i32>} : memref<16384xf32, #tpu.memory_space<vmem>>, vector<16xf32>,
      tpu.vector_store %arg7[%parallel_loop3A_44], %parallel_loop3A_21 {strides = array<i32>} : memref<16384xf32, #tpu.memory_space<vmem>>, vector<16xf32>,
      %parallel_loop3A_46 = arith.constant 96 : i32
      %parallel_loop3A_47 = arith.addi %parallel_loop3A_19, %parallel_loop3A_46 : i32
      %parallel_loop3A_48 = arith.index_cast %parallel_loop3A_47 : i32 to index
      %parallel_loop3A_49 = tpu.vector_load %arg7[%parallel_loop3A_48] {strides = array<i32>} : memref<16384xf32, #tpu.memory_space<vmem>>, vector<16xf32>,
      tpu.vector_store %arg7[%parallel_loop3A_48], %parallel_loop3A_21 {strides = array<i32>} : memref<16384xf32, #tpu.memory_space<vmem>>, vector<16xf32>,
      %parallel_loop3A_50 = arith.constant 112 : i32
      %parallel_loop3A_51 = arith.addi %parallel_loop3A_19, %parallel_loop3A_50 : i32
      %parallel_loop3A_52 = arith.index_cast %parallel_loop3A_51 : i32 to index
      %parallel_loop3A_53 = tpu.vector_load %arg7[%parallel_loop3A_52] {strides = array<i32>} : memref<16384xf32, #tpu.memory_space<vmem>>, vector<16xf32>,
      tpu.vector_store %arg7[%parallel_loop3A_52], %parallel_loop3A_21 {strides = array<i32>} : memref<16384xf32, #tpu.memory_space<vmem>>, vector<16xf32>,
    } {sc.loop_unroll_factor = 2 : i64, sc.parallel_access}
    %dma_wait3A = tpu.memref_slice %arg2[%mul3A_2] : memref<65536xf32, #tpu.memory_space<hbm>> -> memref<2048xf32, #tpu.memory_space<hbm>>
    %dma_wait3A_8 = tpu.memref_slice %arg2[%mul3A_2] : memref<65536xf32, #tpu.memory_space<hbm>> -> memref<2048xf32, #tpu.memory_space<hbm>>
    tpu.wait_dma2 semaphore(%arg9 : memref<!tpu.dma_semaphore, #tpu.memory_space<semaphore_mem>>) src(%dma_wait3A_8 : memref<2048xf32, #tpu.memory_space<hbm>>) dst(%arg5 : memref<2048xf32, #tpu.memory_space<vmem>>)
    %dma_wait3A_9 = tpu.memref_slice %arg3[%mul3A_2] : memref<65536xi32, #tpu.memory_space<hbm>> -> memref<2048xi32, #tpu.memory_space<hbm>>
    %dma_wait3A_10 = tpu.memref_slice %arg3[%mul3A_2] : memref<65536xi32, #tpu.memory_space<hbm>> -> memref<2048xi32, #tpu.memory_space<hbm>>
    tpu.wait_dma2 semaphore(%arg9 : memref<!tpu.dma_semaphore, #tpu.memory_space<semaphore_mem>>) src(%dma_wait3A_10 : memref<2048xi32, #tpu.memory_space<hbm>>) dst(%arg6 : memref<2048xi32, #tpu.memory_space<vmem>>)
    %parallel_loop3A_11 = arith.constant 0 : i32
    %parallel_loop3A_12 = arith.constant 128 : i32
    %parallel_loop3A_13 = arith.constant 1 : i32
    scf.for %parallel_loop3A_17 = %parallel_loop3A_11 to %parallel_loop3A_12 step %parallel_loop3A_13  : i32 {
      %parallel_loop3A_18 = arith.constant 16 : i32
      %parallel_loop3A_19 = arith.muli %parallel_loop3A_17, %parallel_loop3A_18 : i32
      %parallel_loop3A_20 = arith.index_cast %parallel_loop3A_19 : i32 to index
      %parallel_loop3A_21 = tpu.vector_load %arg5[%parallel_loop3A_20] {strides = array<i32>} : memref<2048xf32, #tpu.memory_space<vmem>>, vector<16xf32>,
      %parallel_loop3A_22 = math.absf %parallel_loop3A_21 : vector<16xf32>
      %parallel_loop3A_23 = arith.constant 9.99999993E-9 : f32
      %parallel_loop3A_24 = vector.broadcast %parallel_loop3A_23 : f32 to vector<16xf32>
      %parallel_loop3A_25 = arith.cmpf ogt, %parallel_loop3A_22, %parallel_loop3A_24 : vector<16xf32>
      %parallel_loop3A_26 = arith.extui %parallel_loop3A_25 : vector<16xi1> to vector<16xi32>
      %parallel_loop3A_27 = arith.sitofp %parallel_loop3A_26 : vector<16xi32> to vector<16xf32>
      %parallel_loop3A_28 = tpu.iota {dimensions = array<i32: 0>} : vector<16xi32>
      %parallel_loop3A_29 = arith.constant 8 : i32
      %parallel_loop3A_30 = vector.broadcast %parallel_loop3A_29 : i32 to vector<16xi32>
      %parallel_loop3A_31 = arith.divsi %parallel_loop3A_28, %parallel_loop3A_30 : vector<16xi32>
      %parallel_loop3A_32 = arith.constant 0 : i32
      %parallel_loop3A_33 = vector.broadcast %parallel_loop3A_32 : i32 to vector<16xi32>
      %parallel_loop3A_34 = arith.cmpi sgt, %parallel_loop3A_28, %parallel_loop3A_33 : vector<16xi32>
      %parallel_loop3A_35 = arith.extui %parallel_loop3A_34 : vector<16xi1> to vector<16xi32>
      %parallel_loop3A_36 = arith.constant 0 : i32
      %parallel_loop3A_37 = vector.broadcast %parallel_loop3A_36 : i32 to vector<16xi32>
      %parallel_loop3A_38 = arith.cmpi slt, %parallel_loop3A_28, %parallel_loop3A_37 : vector<16xi32>
      %parallel_loop3A_39 = arith.extui %parallel_loop3A_38 : vector<16xi1> to vector<16xi32>
      %parallel_loop3A_40 = arith.subi %parallel_loop3A_35, %parallel_loop3A_39 : vector<16xi32>
      %parallel_loop3A_41 = arith.constant 0 : i32
      %parallel_loop3A_42 = arith.cmpi sgt, %parallel_loop3A_29, %parallel_loop3A_41 : i32
      %parallel_loop3A_43 = arith.extui %parallel_loop3A_42 : i1 to i32
      %parallel_loop3A_44 = arith.constant 0 : i32
      %parallel_loop3A_45 = arith.cmpi slt, %parallel_loop3A_29, %parallel_loop3A_44 : i32
      %parallel_loop3A_46 = arith.extui %parallel_loop3A_45 : i1 to i32
      %parallel_loop3A_47 = arith.subi %parallel_loop3A_43, %parallel_loop3A_46 : i32
      %parallel_loop3A_48 = vector.broadcast %parallel_loop3A_47 : i32 to vector<16xi32>
      %parallel_loop3A_49 = arith.cmpi ne, %parallel_loop3A_40, %parallel_loop3A_48 : vector<16xi32>
      %parallel_loop3A_50 = vector.broadcast %parallel_loop3A_29 : i32 to vector<16xi32>
      %parallel_loop3A_51 = arith.remsi %parallel_loop3A_28, %parallel_loop3A_50 : vector<16xi32>
      %parallel_loop3A_52 = arith.constant 0 : i32
      %parallel_loop3A_53 = vector.broadcast %parallel_loop3A_52 : i32 to vector<16xi32>
      %parallel_loop3A_54 = arith.cmpi ne, %parallel_loop3A_51, %parallel_loop3A_53 : vector<16xi32>
      %parallel_loop3A_55 = arith.andi %parallel_loop3A_49, %parallel_loop3A_54 : vector<16xi1>
      %parallel_loop3A_56 = arith.constant 1 : i32
      %parallel_loop3A_57 = vector.broadcast %parallel_loop3A_56 : i32 to vector<16xi32>
      %parallel_loop3A_58 = arith.subi %parallel_loop3A_31, %parallel_loop3A_57 : vector<16xi32>
      %parallel_loop3A_59 = arith.select %parallel_loop3A_55, %parallel_loop3A_58, %parallel_loop3A_31 : vector<16xi1>, vector<16xi32>
      %parallel_loop3A_60 = arith.index_cast %parallel_loop3A_19 : i32 to index
      %parallel_loop3A_61 = tpu.vector_load %arg6[%parallel_loop3A_60] {strides = array<i32>} : memref<2048xi32, #tpu.memory_space<vmem>>, vector<16xi32>,
      %parallel_loop3A_62 = arith.constant 7 : i32
      %parallel_loop3A_63 = vector.broadcast %parallel_loop3A_62 : i32 to vector<16xi32>
      %parallel_loop3A_64 = arith.andi %parallel_loop3A_28, %parallel_loop3A_63 : vector<16xi32>
      %parallel_loop3A_65 = arith.constant 1024 : i32
      %parallel_loop3A_66 = vector.broadcast %parallel_loop3A_65 : i32 to vector<16xi32>
      %parallel_loop3A_67 = arith.muli %parallel_loop3A_64, %parallel_loop3A_66 : vector<16xi32>
      %parallel_loop3A_68 = arith.addi %parallel_loop3A_61, %parallel_loop3A_67 : vector<16xi32>
      %parallel_loop3A_69 = arith.mulf %parallel_loop3A_21, %parallel_loop3A_27 : vector<16xf32>
      %parallel_loop3A_70 = arith.constant 0 : i32
      %parallel_loop3A_71 = vector.broadcast %parallel_loop3A_70 : i32 to vector<16xi32>
      %parallel_loop3A_72 = arith.cmpi eq, %parallel_loop3A_59, %parallel_loop3A_71 : vector<16xi32>
      tpu.vector_store_idx %arg7[%parallel_loop3A_68], %parallel_loop3A_69 masked %parallel_loop3A_72 {add = true} : memref<16384xf32, #tpu.memory_space<vmem>>[vector<16xi32>], vector<16xf32>, vector<16xi1>
      %parallel_loop3A_73 = arith.constant 8192 : i32
      %parallel_loop3A_74 = vector.broadcast %parallel_loop3A_73 : i32 to vector<16xi32>
      %parallel_loop3A_75 = arith.addi %parallel_loop3A_68, %parallel_loop3A_74 : vector<16xi32>
      tpu.vector_store_idx %arg7[%parallel_loop3A_75], %parallel_loop3A_27 masked %parallel_loop3A_72 {add = true} : memref<16384xf32, #tpu.memory_space<vmem>>[vector<16xi32>], vector<16xf32>, vector<16xi1>
      %parallel_loop3A_76 = arith.constant 1 : i32
      %parallel_loop3A_77 = vector.broadcast %parallel_loop3A_76 : i32 to vector<16xi32>
      %parallel_loop3A_78 = arith.cmpi eq, %parallel_loop3A_59, %parallel_loop3A_77 : vector<16xi32>
      tpu.vector_store_idx %arg7[%parallel_loop3A_68], %parallel_loop3A_69 masked %parallel_loop3A_78 {add = true} : memref<16384xf32, #tpu.memory_space<vmem>>[vector<16xi32>], vector<16xf32>, vector<16xi1>
      %parallel_loop3A_79 = arith.constant 8192 : i32
      %parallel_loop3A_80 = vector.broadcast %parallel_loop3A_79 : i32 to vector<16xi32>
      %parallel_loop3A_81 = arith.addi %parallel_loop3A_68, %parallel_loop3A_80 : vector<16xi32>
      tpu.vector_store_idx %arg7[%parallel_loop3A_81], %parallel_loop3A_27 masked %parallel_loop3A_78 {add = true} : memref<16384xf32, #tpu.memory_space<vmem>>[vector<16xi32>], vector<16xf32>, vector<16xi1>
    } {sc.loop_unroll_factor = 2 : i64, sc.parallel_access}
    %parallel_loop3A_14 = arith.constant 0 : i32
    %parallel_loop3A_15 = arith.constant 64 : i32
    %parallel_loop3A_16 = arith.constant 1 : i32
    scf.for %parallel_loop3A_17 = %parallel_loop3A_14 to %parallel_loop3A_15 step %parallel_loop3A_16  : i32 {
      %parallel_loop3A_18 = arith.constant 16 : i32
      %parallel_loop3A_19 = arith.muli %parallel_loop3A_17, %parallel_loop3A_18 : i32
      %parallel_loop3A_20 = arith.constant 0.000000e+00 : f32
      %parallel_loop3A_21 = vector.broadcast %parallel_loop3A_20 : f32 to vector<16xf32>
      %parallel_loop3A_22 = arith.constant 0.000000e+00 : f32
      %parallel_loop3A_23 = vector.broadcast %parallel_loop3A_22 : f32 to vector<16xf32>
      %parallel_loop3A_24 = arith.constant 0 : i32
      %parallel_loop3A_25 = arith.addi %parallel_loop3A_24, %parallel_loop3A_19 : i32
      %parallel_loop3A_26 = arith.index_cast %parallel_loop3A_25 : i32 to index
      %parallel_loop3A_27 = tpu.vector_load %arg7[%parallel_loop3A_26] {strides = array<i32>} : memref<16384xf32, #tpu.memory_space<vmem>>, vector<16xf32>,
      %parallel_loop3A_28 = arith.addf %parallel_loop3A_21, %parallel_loop3A_27 : vector<16xf32>
      %parallel_loop3A_29 = arith.constant 8192 : i32
      %parallel_loop3A_30 = arith.addi %parallel_loop3A_29, %parallel_loop3A_19 : i32
      %parallel_loop3A_31 = arith.index_cast %parallel_loop3A_30 : i32 to index
      %parallel_loop3A_32 = tpu.vector_load %arg7[%parallel_loop3A_31] {strides = array<i32>} : memref<16384xf32, #tpu.memory_space<vmem>>, vector<16xf32>,
      %parallel_loop3A_33 = arith.addf %parallel_loop3A_23, %parallel_loop3A_32 : vector<16xf32>
      %parallel_loop3A_34 = arith.constant 1024 : i32
      %parallel_loop3A_35 = arith.addi %parallel_loop3A_34, %parallel_loop3A_19 : i32
      %parallel_loop3A_36 = arith.index_cast %parallel_loop3A_35 : i32 to index
      %parallel_loop3A_37 = tpu.vector_load %arg7[%parallel_loop3A_36] {strides = array<i32>} : memref<16384xf32, #tpu.memory_space<vmem>>, vector<16xf32>,
      %parallel_loop3A_38 = arith.addf %parallel_loop3A_28, %parallel_loop3A_37 : vector<16xf32>
      %parallel_loop3A_39 = arith.constant 9216 : i32
      %parallel_loop3A_40 = arith.addi %parallel_loop3A_39, %parallel_loop3A_19 : i32
      %parallel_loop3A_41 = arith.index_cast %parallel_loop3A_40 : i32 to index
      %parallel_loop3A_42 = tpu.vector_load %arg7[%parallel_loop3A_41] {strides = array<i32>} : memref<16384xf32, #tpu.memory_space<vmem>>, vector<16xf32>,
      %parallel_loop3A_43 = arith.addf %parallel_loop3A_33, %parallel_loop3A_42 : vector<16xf32>
      %parallel_loop3A_44 = arith.constant 2048 : i32
      %parallel_loop3A_45 = arith.addi %parallel_loop3A_44, %parallel_loop3A_19 : i32
      %parallel_loop3A_46 = arith.index_cast %parallel_loop3A_45 : i32 to index
      %parallel_loop3A_47 = tpu.vector_load %arg7[%parallel_loop3A_46] {strides = array<i32>} : memref<16384xf32, #tpu.memory_space<vmem>>, vector<16xf32>,
      %parallel_loop3A_48 = arith.addf %parallel_loop3A_38, %parallel_loop3A_47 : vector<16xf32>
      %parallel_loop3A_49 = arith.constant 10240 : i32
      %parallel_loop3A_50 = arith.addi %parallel_loop3A_49, %parallel_loop3A_19 : i32
      %parallel_loop3A_51 = arith.index_cast %parallel_loop3A_50 : i32 to index
      %parallel_loop3A_52 = tpu.vector_load %arg7[%parallel_loop3A_51] {strides = array<i32>} : memref<16384xf32, #tpu.memory_space<vmem>>, vector<16xf32>,
      %parallel_loop3A_53 = arith.addf %parallel_loop3A_43, %parallel_loop3A_52 : vector<16xf32>
      %parallel_loop3A_54 = arith.constant 3072 : i32
      %parallel_loop3A_55 = arith.addi %parallel_loop3A_54, %parallel_loop3A_19 : i32
      %parallel_loop3A_56 = arith.index_cast %parallel_loop3A_55 : i32 to index
      %parallel_loop3A_57 = tpu.vector_load %arg7[%parallel_loop3A_56] {strides = array<i32>} : memref<16384xf32, #tpu.memory_space<vmem>>, vector<16xf32>,
      %parallel_loop3A_58 = arith.addf %parallel_loop3A_48, %parallel_loop3A_57 : vector<16xf32>
      %parallel_loop3A_59 = arith.constant 11264 : i32
      %parallel_loop3A_60 = arith.addi %parallel_loop3A_59, %parallel_loop3A_19 : i32
      %parallel_loop3A_61 = arith.index_cast %parallel_loop3A_60 : i32 to index
      %parallel_loop3A_62 = tpu.vector_load %arg7[%parallel_loop3A_61] {strides = array<i32>} : memref<16384xf32, #tpu.memory_space<vmem>>, vector<16xf32>,
      %parallel_loop3A_63 = arith.addf %parallel_loop3A_53, %parallel_loop3A_62 : vector<16xf32>
      %parallel_loop3A_64 = arith.constant 4096 : i32
      %parallel_loop3A_65 = arith.addi %parallel_loop3A_64, %parallel_loop3A_19 : i32
      %parallel_loop3A_66 = arith.index_cast %parallel_loop3A_65 : i32 to index
      %parallel_loop3A_67 = tpu.vector_load %arg7[%parallel_loop3A_66] {strides = array<i32>} : memref<16384xf32, #tpu.memory_space<vmem>>, vector<16xf32>,
      %parallel_loop3A_68 = arith.addf %parallel_loop3A_58, %parallel_loop3A_67 : vector<16xf32>
      %parallel_loop3A_69 = arith.constant 12288 : i32
      %parallel_loop3A_70 = arith.addi %parallel_loop3A_69, %parallel_loop3A_19 : i32
      %parallel_loop3A_71 = arith.index_cast %parallel_loop3A_70 : i32 to index
      %parallel_loop3A_72 = tpu.vector_load %arg7[%parallel_loop3A_71] {strides = array<i32>} : memref<16384xf32, #tpu.memory_space<vmem>>, vector<16xf32>,
      %parallel_loop3A_73 = arith.addf %parallel_loop3A_63, %parallel_loop3A_72 : vector<16xf32>
      %parallel_loop3A_74 = arith.constant 5120 : i32
      %parallel_loop3A_75 = arith.addi %parallel_loop3A_74, %parallel_loop3A_19 : i32
      %parallel_loop3A_76 = arith.index_cast %parallel_loop3A_75 : i32 to index
      %parallel_loop3A_77 = tpu.vector_load %arg7[%parallel_loop3A_76] {strides = array<i32>} : memref<16384xf32, #tpu.memory_space<vmem>>, vector<16xf32>,
      %parallel_loop3A_78 = arith.addf %parallel_loop3A_68, %parallel_loop3A_77 : vector<16xf32>
      %parallel_loop3A_79 = arith.constant 13312 : i32
      %parallel_loop3A_80 = arith.addi %parallel_loop3A_79, %parallel_loop3A_19 : i32
      %parallel_loop3A_81 = arith.index_cast %parallel_loop3A_80 : i32 to index
      %parallel_loop3A_82 = tpu.vector_load %arg7[%parallel_loop3A_81] {strides = array<i32>} : memref<16384xf32, #tpu.memory_space<vmem>>, vector<16xf32>,
      %parallel_loop3A_83 = arith.addf %parallel_loop3A_73, %parallel_loop3A_82 : vector<16xf32>
      %parallel_loop3A_84 = arith.constant 6144 : i32
      %parallel_loop3A_85 = arith.addi %parallel_loop3A_84, %parallel_loop3A_19 : i32
      %parallel_loop3A_86 = arith.index_cast %parallel_loop3A_85 : i32 to index
      %parallel_loop3A_87 = tpu.vector_load %arg7[%parallel_loop3A_86] {strides = array<i32>} : memref<16384xf32, #tpu.memory_space<vmem>>, vector<16xf32>,
      %parallel_loop3A_88 = arith.addf %parallel_loop3A_78, %parallel_loop3A_87 : vector<16xf32>
      %parallel_loop3A_89 = arith.constant 14336 : i32
      %parallel_loop3A_90 = arith.addi %parallel_loop3A_89, %parallel_loop3A_19 : i32
      %parallel_loop3A_91 = arith.index_cast %parallel_loop3A_90 : i32 to index
      %parallel_loop3A_92 = tpu.vector_load %arg7[%parallel_loop3A_91] {strides = array<i32>} : memref<16384xf32, #tpu.memory_space<vmem>>, vector<16xf32>,
      %parallel_loop3A_93 = arith.addf %parallel_loop3A_83, %parallel_loop3A_92 : vector<16xf32>
      %parallel_loop3A_94 = arith.constant 7168 : i32
      %parallel_loop3A_95 = arith.addi %parallel_loop3A_94, %parallel_loop3A_19 : i32
      %parallel_loop3A_96 = arith.index_cast %parallel_loop3A_95 : i32 to index
      %parallel_loop3A_97 = tpu.vector_load %arg7[%parallel_loop3A_96] {strides = array<i32>} : memref<16384xf32, #tpu.memory_space<vmem>>, vector<16xf32>,
      %parallel_loop3A_98 = arith.addf %parallel_loop3A_88, %parallel_loop3A_97 : vector<16xf32>
      %parallel_loop3A_99 = arith.constant 15360 : i32
      %parallel_loop3A_100 = arith.addi %parallel_loop3A_99, %parallel_loop3A_19 : i32
      %parallel_loop3A_101 = arith.index_cast %parallel_loop3A_100 : i32 to index
      %parallel_loop3A_102 = tpu.vector_load %arg7[%parallel_loop3A_101] {strides = array<i32>} : memref<16384xf32, #tpu.memory_space<vmem>>, vector<16xf32>,
      %parallel_loop3A_103 = arith.addf %parallel_loop3A_93, %parallel_loop3A_102 : vector<16xf32>
      %parallel_loop3A_104 = arith.constant 0 : i32
      %parallel_loop3A_105 = arith.index_cast %parallel_loop3A_104 : i32 to index
      %parallel_loop3A_106 = arith.index_cast %parallel_loop3A_19 : i32 to index
      %parallel_loop3A_107 = tpu.vector_load %arg8[%parallel_loop3A_105, %parallel_loop3A_106] {strides = array<i32>} : memref<2x1024xf32, #tpu.memory_space<vmem>>, vector<16xf32>,
      tpu.vector_store %arg8[%parallel_loop3A_105, %parallel_loop3A_106], %parallel_loop3A_98 {strides = array<i32>} : memref<2x1024xf32, #tpu.memory_space<vmem>>, vector<16xf32>,
      %parallel_loop3A_108 = arith.constant 1 : i32
      %parallel_loop3A_109 = arith.index_cast %parallel_loop3A_108 : i32 to index
      %parallel_loop3A_110 = arith.index_cast %parallel_loop3A_19 : i32 to index
      %parallel_loop3A_111 = tpu.vector_load %arg8[%parallel_loop3A_109, %parallel_loop3A_110] {strides = array<i32>} : memref<2x1024xf32, #tpu.memory_space<vmem>>, vector<16xf32>,
      tpu.vector_store %arg8[%parallel_loop3A_109, %parallel_loop3A_110], %parallel_loop3A_103 {strides = array<i32>} : memref<2x1024xf32, #tpu.memory_space<vmem>>, vector<16xf32>,
    } {sc.loop_unroll_factor = 2 : i64, sc.parallel_access}
    "tpu.region"() ({
      %run_scoped3A = tpu.sem_alloc : memref<!tpu.dma_semaphore, #tpu.memory_space<semaphore_mem>>
      %dma_start3A_17 = arith.constant 0 : i32
      %dma_start3A_18 = arith.constant 0 : i32
      %dma_start3A_19 = tpu.memref_slice %arg4[%add3A, %dma_start3A_17, %dma_start3A_18] : memref<32x2x1024xf32, #tpu.memory_space<hbm>> -> memref<1x2x1024xf32, #tpu.memory_space<hbm>>
      %dma_start3A_20 = tpu.memref_squeeze %dma_start3A_19 : memref<1x2x1024xf32, #tpu.memory_space<hbm>> -> memref<2x1024xf32, #tpu.memory_space<hbm>>
      %dma_start3A_21 = arith.constant 0 : i32
      %dma_start3A_22 = arith.constant 0 : i32
      %dma_start3A_23 = tpu.memref_slice %arg4[%add3A, %dma_start3A_21, %dma_start3A_22] : memref<32x2x1024xf32, #tpu.memory_space<hbm>> -> memref<1x2x1024xf32, #tpu.memory_space<hbm>>
      %dma_start3A_24 = tpu.memref_squeeze %dma_start3A_23 : memref<1x2x1024xf32, #tpu.memory_space<hbm>> -> memref<2x1024xf32, #tpu.memory_space<hbm>>
      tpu.enqueue_dma source(%arg8 : memref<2x1024xf32, #tpu.memory_space<vmem>>) target(%dma_start3A_24 : memref<2x1024xf32, #tpu.memory_space<hbm>>) target_semaphore(%run_scoped3A : memref<!tpu.dma_semaphore, #tpu.memory_space<semaphore_mem>>)
      %dma_wait3A_25 = arith.constant 0 : i32
      %dma_wait3A_26 = arith.constant 0 : i32
      %dma_wait3A_27 = tpu.memref_slice %arg4[%add3A, %dma_wait3A_25, %dma_wait3A_26] : memref<32x2x1024xf32, #tpu.memory_space<hbm>> -> memref<1x2x1024xf32, #tpu.memory_space<hbm>>
      %dma_wait3A_28 = tpu.memref_squeeze %dma_wait3A_27 : memref<1x2x1024xf32, #tpu.memory_space<hbm>> -> memref<2x1024xf32, #tpu.memory_space<hbm>>
      %dma_wait3A_29 = arith.constant 0 : i32
      %dma_wait3A_30 = arith.constant 0 : i32
      %dma_wait3A_31 = tpu.memref_slice %arg4[%add3A, %dma_wait3A_29, %dma_wait3A_30] : memref<32x2x1024xf32, #tpu.memory_space<hbm>> -> memref<1x2x1024xf32, #tpu.memory_space<hbm>>
      %dma_wait3A_32 = tpu.memref_squeeze %dma_wait3A_31 : memref<1x2x1024xf32, #tpu.memory_space<hbm>> -> memref<2x1024xf32, #tpu.memory_space<hbm>>
      tpu.wait_dma2 semaphore(%run_scoped3A : memref<!tpu.dma_semaphore, #tpu.memory_space<semaphore_mem>>) src(%arg8 : memref<2x1024xf32, #tpu.memory_space<vmem>>) dst(%dma_wait3A_32 : memref<2x1024xf32, #tpu.memory_space<hbm>>)
      tpu.yield
    }) : () -> ()
    return
  }
}

module attributes {stable_mosaic.version = 14 : i64} {
  func.func @_tc_elem_body(%arg0: memref<512x128xf32, #tpu.memory_space<vmem>>, %arg1: memref<512x128xf32, #tpu.memory_space<vmem>>, %arg2: memref<512x128xf32, #tpu.memory_space<vmem>>, %arg3: memref<512x128xf32, #tpu.memory_space<vmem>>, %arg4: memref<512x128xf32, #tpu.memory_space<vmem>>, %arg5: memref<512x128xf32, #tpu.memory_space<vmem>>, %arg6: memref<1x2xf32, #tpu.memory_space<vmem>>) attributes {dimension_semantics = [], scalar_prefetch = 0 : i64, scratch_operands = 0 : i64, tpu.core_type = #tpu.core_type<tc>} {
    %get3A = arith.constant 0 : index
    %get3A_0 = arith.constant 0 : index
    %get3A_1 = vector.load %arg0[%get3A, %get3A_0] : memref<512x128xf32, #tpu.memory_space<vmem>>, vector<512x128xf32>
    %get3A_2 = arith.constant 0 : index
    %get3A_3 = arith.constant 0 : index
    %get3A_4 = vector.load %arg1[%get3A_2, %get3A_3] : memref<512x128xf32, #tpu.memory_space<vmem>>, vector<512x128xf32>
    %sub3A = arith.subf %get3A_1, %get3A_4 : vector<512x128xf32>
    %exp3A = math.exp %sub3A : vector<512x128xf32>
    %get3A_5 = arith.constant 0 : index
    %get3A_6 = arith.constant 0 : index
    %get3A_7 = vector.load %arg2[%get3A_5, %get3A_6] : memref<512x128xf32, #tpu.memory_space<vmem>>, vector<512x128xf32>
    %mul3A = arith.mulf %exp3A, %get3A_7 : vector<512x128xf32>
    %jit3A = arith.constant 8.000000e-01 : f32
    %jit3A_8 = arith.constant 1.200000e+00 : f32
    %max3A = vector.broadcast %jit3A : f32 to vector<512x128xf32>
    %max3A_9 = arith.maximumf %max3A, %exp3A : vector<512x128xf32>
    %min3A = vector.broadcast %jit3A_8 : f32 to vector<512x128xf32>
    %min3A_10 = arith.minimumf %min3A, %max3A_9 : vector<512x128xf32>
    %mul3A_11 = arith.mulf %min3A_10, %get3A_7 : vector<512x128xf32>
    %min3A_12 = arith.minimumf %mul3A, %mul3A_11 : vector<512x128xf32>
    %reduce_sum3A = vector.shape_cast %min3A_12 : vector<512x128xf32> to vector<1x512x128xf32>
    %reduce_sum3A_13 = arith.constant dense<0.000000e+00> : vector<1xf32>
    %reduce_sum3A_14 = vector.multi_reduction <add>, %reduce_sum3A, %reduce_sum3A_13 [1, 2] : vector<1x512x128xf32> to vector<1xf32>
    %reduce_sum3A_15 = vector.shape_cast %reduce_sum3A_14 : vector<1xf32> to vector<1x1x1xf32>
    %reduce_sum3A_16 = vector.extract %reduce_sum3A_15[0, 0, 0] : f32 from vector<1x1x1xf32>
    %get3A_17 = arith.constant 0 : index
    %get3A_18 = arith.constant 0 : index
    %get3A_19 = vector.load %arg3[%get3A_17, %get3A_18] : memref<512x128xf32, #tpu.memory_space<vmem>>, vector<512x128xf32>
    %get3A_20 = arith.constant 0 : index
    %get3A_21 = arith.constant 0 : index
    %get3A_22 = vector.load %arg4[%get3A_20, %get3A_21] : memref<512x128xf32, #tpu.memory_space<vmem>>, vector<512x128xf32>
    %get3A_23 = arith.constant 0 : index
    %get3A_24 = arith.constant 0 : index
    %get3A_25 = vector.load %arg5[%get3A_23, %get3A_24] : memref<512x128xf32, #tpu.memory_space<vmem>>, vector<512x128xf32>
    %sub3A_26 = arith.subf %get3A_19, %get3A_22 : vector<512x128xf32>
    %jit3A_27 = arith.constant -2.000000e-01 : f32
    %jit3A_28 = arith.constant 2.000000e-01 : f32
    %max3A_29 = vector.broadcast %jit3A_27 : f32 to vector<512x128xf32>
    %max3A_30 = arith.maximumf %max3A_29, %sub3A_26 : vector<512x128xf32>
    %min3A_31 = vector.broadcast %jit3A_28 : f32 to vector<512x128xf32>
    %min3A_32 = arith.minimumf %min3A_31, %max3A_30 : vector<512x128xf32>
    %add3A = arith.addf %get3A_22, %min3A_32 : vector<512x128xf32>
    %sub3A_33 = arith.subf %get3A_19, %get3A_25 : vector<512x128xf32>
    %sub3A_34 = arith.subf %add3A, %get3A_25 : vector<512x128xf32>
    %mul3A_35 = arith.mulf %sub3A_33, %sub3A_33 : vector<512x128xf32>
    %mul3A_36 = arith.mulf %sub3A_34, %sub3A_34 : vector<512x128xf32>
    %max3A_37 = arith.maximumf %mul3A_35, %mul3A_36 : vector<512x128xf32>
    %reduce_sum3A_38 = vector.shape_cast %max3A_37 : vector<512x128xf32> to vector<1x512x128xf32>
    %reduce_sum3A_39 = arith.constant dense<0.000000e+00> : vector<1xf32>
    %reduce_sum3A_40 = vector.multi_reduction <add>, %reduce_sum3A_38, %reduce_sum3A_39 [1, 2] : vector<1x512x128xf32> to vector<1xf32>
    %reduce_sum3A_41 = vector.shape_cast %reduce_sum3A_40 : vector<1xf32> to vector<1x1x1xf32>
    %reduce_sum3A_42 = vector.extract %reduce_sum3A_41[0, 0, 0] : f32 from vector<1x1x1xf32>
    %broadcast_in_dim3A = vector.broadcast %reduce_sum3A_16 : f32 to vector<1x1xf32>
    %broadcast_in_dim3A_43 = vector.broadcast %reduce_sum3A_42 : f32 to vector<1x1xf32>
    %concatenate3A = tpu.concatenate %broadcast_in_dim3A, %broadcast_in_dim3A_43 in 1 : vector<1x1xf32>, vector<1x1xf32> -> vector<1x2xf32>
    %swap3A = arith.constant 0 : index
    %swap3A_44 = arith.constant 0 : index
    %swap3A_45 = vector.load %arg6[%swap3A, %swap3A_44] : memref<1x2xf32, #tpu.memory_space<vmem>>, vector<1x2xf32>
    tpu.vector_store %arg6[%swap3A, %swap3A_44], %concatenate3A {strides = array<i32>} : memref<1x2xf32, #tpu.memory_space<vmem>>, vector<1x2xf32>,
    return
  }
}

module attributes {stable_mosaic.version = 14 : i64} {
  func.func @_tc_fin_body(%arg0: memref<32x2x1024xf32, #tpu.memory_space<vmem>>, %arg1: memref<1x2xf32, #tpu.memory_space<vmem>>, %arg2: memref<1x1000xf32, #tpu.memory_space<vmem>>, %arg3: memref<1x1xf32, #tpu.memory_space<vmem>>, %arg4: memref<1x1xf32, #tpu.memory_space<vmem>>) attributes {dimension_semantics = [], scalar_prefetch = 0 : i64, scratch_operands = 0 : i64, tpu.core_type = #tpu.core_type<tc>} {
    %get3A = arith.constant 0 : index
    %get3A_0 = arith.constant 0 : index
    %get3A_1 = arith.constant 0 : index
    %get3A_2 = vector.load %arg0[%get3A, %get3A_0, %get3A_1] : memref<32x2x1024xf32, #tpu.memory_space<vmem>>, vector<32x2x1024xf32>
    %reduce_sum3A = arith.constant dense<0.000000e+00> : vector<2x1024xf32>
    %reduce_sum3A_3 = vector.multi_reduction <add>, %get3A_2, %reduce_sum3A [0] : vector<32x2x1024xf32> to vector<2x1024xf32>
    %slice3A = vector.extract_strided_slice %reduce_sum3A_3 {offsets = [0, 0], sizes = [1, 1024], strides = [1, 1]} : vector<2x1024xf32> to vector<1x1024xf32>
    %squeeze3A = vector.shape_cast %slice3A : vector<1x1024xf32> to vector<1024xf32>
    %slice3A_4 = vector.extract_strided_slice %reduce_sum3A_3 {offsets = [1, 0], sizes = [1, 1024], strides = [1, 1]} : vector<2x1024xf32> to vector<1x1024xf32>
    %squeeze3A_5 = vector.shape_cast %slice3A_4 : vector<1x1024xf32> to vector<1024xf32>
    %gt3A = arith.constant 0.000000e+00 : f32
    %gt3A_6 = vector.broadcast %gt3A : f32 to vector<1024xf32>
    %gt3A_7 = arith.cmpf ogt, %squeeze3A_5, %gt3A_6 : vector<1024xf32>
    %max3A = arith.constant 1.000000e+00 : f32
    %max3A_8 = vector.broadcast %max3A : f32 to vector<1024xf32>
    %max3A_9 = arith.maximumf %squeeze3A_5, %max3A_8 : vector<1024xf32>
    %div3A = arith.divf %squeeze3A, %max3A_9 : vector<1024xf32>
    %jit3A = arith.constant 0xFF800000 : f32
    %broadcast_in_dim3A = vector.broadcast %jit3A : f32 to vector<1024xf32>
    %select_n3A = arith.select %gt3A_7, %div3A, %broadcast_in_dim3A : vector<1024xi1>, vector<1024xf32>
    %broadcast_in_dim3A_10 = vector.shape_cast %select_n3A : vector<1024xf32> to vector<1024x1xf32>
    %broadcast_in_dim3A_11 = vector.broadcast %broadcast_in_dim3A_10 : vector<1024x1xf32> to vector<1024x1024xf32>
    %broadcast_in_dim3A_12 = vector.shape_cast %select_n3A : vector<1024xf32> to vector<1x1024xf32>
    %broadcast_in_dim3A_13 = vector.broadcast %broadcast_in_dim3A_12 : vector<1x1024xf32> to vector<1024x1024xf32>
    %gt3A_14 = arith.cmpf ogt, %broadcast_in_dim3A_11, %broadcast_in_dim3A_13 : vector<1024x1024xf32>
    %convert_element_type3A = arith.extui %gt3A_14 : vector<1024x1024xi1> to vector<1024x1024xi32>
    %convert_element_type3A_15 = arith.sitofp %convert_element_type3A : vector<1024x1024xi32> to vector<1024x1024xf32>
    %broadcast_in_dim3A_16 = arith.constant 1.000000e+00 : f32
    %broadcast_in_dim3A_17 = vector.broadcast %broadcast_in_dim3A_16 : f32 to vector<1x1024xf32>
    %dot_general3A = arith.constant dense<0.000000e+00> : vector<1x1024xf32>
    %dot_general3A_18 = tpu.matmul %broadcast_in_dim3A_17, %convert_element_type3A_15, %dot_general3A {dimension_numbers = #tpu.dot_dimension_numbers<[1], [0], [0], [1], [0, 0, 1, 1], [], []>, transpose_lhs_hint = false} : vector<1x1024xf32>, vector<1024x1024xf32>, vector<1x1024xf32> -> vector<1x1024xf32>
    %squeeze3A_19 = vector.shape_cast %dot_general3A_18 : vector<1x1024xf32> to vector<1024xf32>
    %add3A = arith.constant 1.000000e+00 : f32
    %add3A_20 = vector.broadcast %add3A : f32 to vector<1024xf32>
    %add3A_21 = arith.addf %squeeze3A_19, %add3A_20 : vector<1024xf32>
    %get3A_22 = arith.constant 0 : index
    %get3A_23 = arith.constant 0 : index
    %get3A_24 = vector.load %arg2[%get3A_22, %get3A_23] : memref<1x1000xf32, #tpu.memory_space<vmem>>, vector<1x1000xf32>
    %get3A_25 = vector.shape_cast %get3A_24 : vector<1x1000xf32> to vector<1000xf32>
    %slice3A_26 = vector.extract_strided_slice %gt3A_7 {offsets = [0], sizes = [1000], strides = [1]} : vector<1024xi1> to vector<1000xi1>
    %slice3A_27 = vector.extract_strided_slice %add3A_21 {offsets = [0], sizes = [1000], strides = [1]} : vector<1024xf32> to vector<1000xf32>
    %div3A_28 = arith.divf %get3A_25, %slice3A_27 : vector<1000xf32>
    %jit3A_29 = arith.constant 0.000000e+00 : f32
    %broadcast_in_dim3A_30 = vector.broadcast %jit3A_29 : f32 to vector<1000xf32>
    %select_n3A_31 = arith.select %slice3A_26, %div3A_28, %broadcast_in_dim3A_30 : vector<1000xi1>, vector<1000xf32>
    %reduce_sum3A_32 = vector.shape_cast %select_n3A_31 : vector<1000xf32> to vector<1x1000xf32>
    %reduce_sum3A_33 = arith.constant dense<0.000000e+00> : vector<1xf32>
    %reduce_sum3A_34 = vector.multi_reduction <add>, %reduce_sum3A_32, %reduce_sum3A_33 [1] : vector<1x1000xf32> to vector<1xf32>
    %reduce_sum3A_35 = vector.shape_cast %reduce_sum3A_34 : vector<1xf32> to vector<1x1xf32>
    %reduce_sum3A_36 = vector.extract %reduce_sum3A_35[0, 0] : f32 from vector<1x1xf32>
    %convert_element_type3A_37 = arith.extui %gt3A_7 : vector<1024xi1> to vector<1024xi32>
    %convert_element_type3A_38 = arith.sitofp %convert_element_type3A_37 : vector<1024xi32> to vector<1024xf32>
    %reduce_sum3A_39 = vector.shape_cast %convert_element_type3A_38 : vector<1024xf32> to vector<1x1024xf32>
    %reduce_sum3A_40 = arith.constant dense<0.000000e+00> : vector<1xf32>
    %reduce_sum3A_41 = vector.multi_reduction <add>, %reduce_sum3A_39, %reduce_sum3A_40 [1] : vector<1x1024xf32> to vector<1xf32>
    %reduce_sum3A_42 = vector.shape_cast %reduce_sum3A_41 : vector<1xf32> to vector<1x1xf32>
    %reduce_sum3A_43 = vector.extract %reduce_sum3A_42[0, 0] : f32 from vector<1x1xf32>
    %max3A_44 = arith.constant 1.000000e+00 : f32
    %max3A_45 = arith.maximumf %reduce_sum3A_43, %max3A_44 : f32
    %div3A_46 = arith.divf %reduce_sum3A_36, %max3A_45 : f32
    %get3A_47 = arith.constant 0 : index
    %get3A_48 = arith.constant 0 : index
    %get3A_49 = vector.load %arg1[%get3A_47, %get3A_48] : memref<1x2xf32, #tpu.memory_space<vmem>>, vector<1x1xf32>
    %get3A_50 = vector.extract %get3A_49[0, 0] : f32 from vector<1x1xf32>
    %neg3A = arith.constant 0.000000e+00 : f32
    %neg3A_51 = arith.subf %neg3A, %get3A_50 : f32
    %div3A_52 = arith.constant 6.553600e+04 : f32
    %div3A_53 = arith.divf %neg3A_51, %div3A_52 : f32
    %get3A_54 = arith.constant 0 : index
    %get3A_55 = arith.constant 1 : index
    %get3A_56 = vector.load %arg1[%get3A_54, %get3A_55] : memref<1x2xf32, #tpu.memory_space<vmem>>, vector<1x1xf32>
    %get3A_57 = vector.extract %get3A_56[0, 0] : f32 from vector<1x1xf32>
    %mul3A = arith.constant 5.000000e-01 : f32
    %mul3A_58 = arith.mulf %mul3A, %get3A_57 : f32
    %div3A_59 = arith.constant 6.553600e+04 : f32
    %div3A_60 = arith.divf %mul3A_58, %div3A_59 : f32
    %get3A_61 = arith.constant 0 : index
    %get3A_62 = arith.constant 0 : index
    %get3A_63 = vector.load %arg3[%get3A_61, %get3A_62] : memref<1x1xf32, #tpu.memory_space<vmem>>, vector<1x1xf32>
    %get3A_64 = vector.extract %get3A_63[0, 0] : f32 from vector<1x1xf32>
    %mul3A_65 = arith.constant 5.000000e-01 : f32
    %mul3A_66 = arith.mulf %div3A_60, %mul3A_65 : f32
    %add3A_67 = arith.addf %mul3A_66, %div3A_53 : f32
    %mul3A_68 = arith.constant 0.00999999977 : f32
    %mul3A_69 = arith.mulf %get3A_64, %mul3A_68 : f32
    %sub3A = arith.subf %add3A_67, %mul3A_69 : f32
    %mul3A_70 = arith.constant 1.000000e+00 : f32
    %mul3A_71 = arith.mulf %mul3A_70, %div3A_46 : f32
    %add3A_72 = arith.addf %sub3A, %mul3A_71 : f32
    %broadcast_in_dim3A_73 = vector.broadcast %add3A_72 : f32 to vector<1x1xf32>
    %swap3A = arith.constant 0 : index
    %swap3A_74 = arith.constant 0 : index
    %swap3A_75 = vector.load %arg4[%swap3A, %swap3A_74] : memref<1x1xf32, #tpu.memory_space<vmem>>, vector<1x1xf32>
    tpu.vector_store %arg4[%swap3A, %swap3A_74], %broadcast_in_dim3A_73 {strides = array<i32>} : memref<1x1xf32, #tpu.memory_space<vmem>>, vector<1x1xf32>,
    return
  }
}

</mosaic_0001>

<sc_bundles>
// kernel: kernel.5.cloned.1.call-start
scs
__scs_entry_jumppad:
0x0: {  	(pc) =	sbr.rel $0x88, $3  }
0x1: {  	(tag) =	ssettag $0x0;
	lr =	simm.s32 $0x1  }
0x2: {  	[smem:$0x3F98] =	sst lr;
	_ =	strace $0xD0000000  }
0x3: {  	_ = 	snop  }
0x4: {  	_ = 	snop  }
0x5: {  	_ = 	snop  }
0x6: {  	_ = 	snop  }
0x7: {  	_ = 	snop  }
__scs_overlays_trampoline_lowered:
0x8: {  	[smem:$0x3FA7] =	sst s0  }
0x9: {  	[smem:$0x3FA8] =	sst s1  }
0xa: {  	[smem:$0x3FA9] =	sst s2  }
0xb: {  	[smem:$0x3FAA] =	sst s3  }
0xc: {  	[smem:$0x3FAB] =	sst s4  }
0xd: {  	[smem:$0x3FAC] =	sst s5  }
0xe: {  	[smem:$0x3FAD] =	sst s6  }
0xf: {  	[smem:$0x3FAE] =	sst s7  }
0x10: {  	[smem:$0x3FAF] =	sst s8  }
0x11: {  	[smem:$0x3FB0] =	sst s9;
	s0 =	simm.s32 @!p0 $0x0  }
0x12: {  	s1 =	sld [smem:$0x3F96];
	s0 =	simm.s32 @p0 $0x1  }
0x13: {  	[smem:$0x3FB1] =	sst s0;
	s0 =	simm.s32 @!p1 $0x0  }
0x14: {  	s2 =	sld [smem:$0x3F95];
	s0 =	simm.s32 @p1 $0x1  }
0x15: {  	[smem:$0x3FB2] =	sst s0;
	s0 =	simm.s32 @!p2 $0x0  }
0x16: {  	s3 =	sld [smem:$0x3FDB];
	s0 =	simm.s32 @p2 $0x1  }
0x17: {  	s4 =	simm.s32 $0x1BF5;
	[smem:$0x3FB4] =	sst s0  }
0x18: {  	s0 =	sld [smem:$0x3F97];
	_ =	swait.ge [sflag:s4], $0x0  }
0x19: {  	s7 =	sld [smem:$0x3F98]  }
0x1a: {  	s8 =	sadd.s32 $0xFFFFE003, lr  }
0x1b: {  	s9 =	sadd.s32 $0xFFFFFEF7, lr;
	s5 =	simm.s32 $0xFFFFFFFF;
	p2 =	slt.u32 s8, $0xFFFFF086  }
0x1c: {  	p1 =	slt.u32 s9, $0xF7A;
	s5 =	simm.s32 @!p2 $0x0  }
0x1d: {  	s5 =	simm.s32 @p1 $0x1;
	p0 =	seq.s32 s7, s2  }
0x1e: {  	s7 =	smul.u32 @!p0 $0xF7A, s2;
	p2 =	seq.s32 @!p0 s5, $0x0  }
0x1f: {  	s9 =	smul.u32 $0xF7A, s1;
	s8 =	simm.s32 @!p0 $0x1BF5;
	p2 =	por !p2, p0  }
0x20: {  	[sflag:s8] =	ssyncset.s32 @!p0 $0xFFFFF086;
	s6 =	sadd.s32 @!p0 s3, s7;
	s7 =	simm.s32 @!p0 $0x108  }
0x21: {  	s3 =	sadd.s32 s3, s9;
	s6 =	sadd.s32 @!p0 $0x88, s6;
	s7 =	simm.s32 @p2 $0x1082  }
0x22: {  	[simem:s7], [sflag:s8] =	dma.local @!p0 [hbm:s6], $0xF7A  }
0x23: {  	s9 =	sor.u32 $0xD0000000, s2;
	s6 =	simm.s32 $0x108;
	_ =	swait.ge @!p0 [sflag:s8], $0x0  }
0x24: {  	s3 =	sadd.s32 $0x88, s3;
	s6 =	simm.s32 @!p1 $0x1082;
	[sflag:s4] =	ssyncset.s32 $0xFFFFF086  }
0x25: {  	[simem:s6], [sflag:s4] =	dma.local [hbm:s3], $0xF7A  }
0x26: {  	[smem:$0x3F98] =	sst s1;
	(tag) =	ssettag s2;
	_ =	strace s9  }
0x27: {  	s1 =	sld [smem:$0x3FA8]  }
0x28: {  	s2 =	sld [smem:$0x3FA9]  }
0x29: {  	s4 =	sld [smem:$0x3FAB]  }
0x2a: {  	p0 =	seq.s32 s5, $0x0;
	s5 =	sld [smem:$0x3FAC]  }
0x2b: {  	s6 =	sld [smem:$0x3FAD]  }
0x2c: {  	s7 =	sld [smem:$0x3FAE]  }
0x2d: {  	s3 =	simm.s32 $0x108;
	s8 =	sld [smem:$0x3FAF]  }
0x2e: {  	s3 =	simm.s32 @!p0 $0x1082;
	s9 =	sld [smem:$0x3FB0]  }
0x2f: {  	lr =	sadd.s32 s0, s3;
	s0 =	sld [smem:$0x3FA7]  }
0x30: {  	s3 =	sld [smem:$0x3FAA]  }
0x31: {  	[smem:$0x3FB3] =	sst s10  }
0x32: {  	s10 =	sld [smem:$0x3FB1];
	_ =	sdelay $0x3  }
0x33: {  	p0 =	seq.s32 s10, $0x1;
	s10 =	sld [smem:$0x3FB3];
	_ =	sdelay $0x3  }
0x34: {  	[smem:$0x3FB3] =	sst s10  }
0x35: {  	s10 =	sld [smem:$0x3FB2];
	_ =	sdelay $0x3  }
0x36: {  	p1 =	seq.s32 s10, $0x1;
	s10 =	sld [smem:$0x3FB3];
	_ =	sdelay $0x3  }
0x37: {  	[smem:$0x3FB3] =	sst s10  }
0x38: {  	s10 =	sld [smem:$0x3FB4]  }
0x39: {  	_ = 	snop;
	(pc) =	sbr.ind lr, $3  }
0x3a: {  	_ = 	snop  }
0x3b: {  	_ = 	snop  }
0x3c: {  	p2 =	seq.s32 s10, $0x1;
	s10 =	sld [smem:$0x3FB3]  }
0x3d: {  	_ =	shalt  }
0x3e: {  	_ =	shalt  }
0x3f: {  	_ =	shalt  }
0x40: {  	_ =	shalt  }
0x41: {  	_ =	shalt  }
0x42: {  	_ =	shalt  }
0x43: {  	_ =	shalt  }
0x44: {  	_ =	shalt  }
0x45: {  	_ =	shalt  }
0x46: {  	_ =	shalt  }
0x47: {  	_ =	shalt  }
0x48: {  	_ =	shalt  }
0x49: {  	_ =	shalt  }
0x4a: {  	_ =	shalt  }
0x4b: {  	_ =	shalt  }
0x4c: {  	_ =	shalt  }
0x4d: {  	_ =	shalt  }
0x4e: {  	_ =	shalt  }
0x4f: {  	_ =	shalt  }
0x50: {  	_ =	shalt  }
0x51: {  	_ =	shalt  }
0x52: {  	_ =	shalt  }
0x53: {  	_ =	shalt  }
0x54: {  	_ =	shalt  }
0x55: {  	_ =	shalt  }
0x56: {  	_ =	shalt  }
0x57: {  	_ =	shalt  }
0x58: {  	_ =	shalt  }
0x59: {  	_ =	shalt  }
0x5a: {  	_ =	shalt  }
0x5b: {  	_ =	shalt  }
0x5c: {  	_ =	shalt  }
0x5d: {  	_ =	shalt  }
0x5e: {  	_ =	shalt  }
0x5f: {  	_ =	shalt  }
0x60: {  	_ =	shalt  }
0x61: {  	_ =	shalt  }
0x62: {  	_ =	shalt  }
0x63: {  	_ =	shalt  }
0x64: {  	_ =	shalt  }
0x65: {  	_ =	shalt  }
0x66: {  	_ =	shalt  }
0x67: {  	_ =	shalt  }
0x68: {  	_ =	shalt  }
0x69: {  	_ =	shalt  }
0x6a: {  	_ =	shalt  }
0x6b: {  	_ =	shalt  }
0x6c: {  	_ =	shalt  }
0x6d: {  	_ =	shalt  }
0x6e: {  	_ =	shalt  }
0x6f: {  	_ =	shalt  }
0x70: {  	_ =	shalt  }
0x71: {  	_ =	shalt  }
0x72: {  	_ =	shalt  }
0x73: {  	_ =	shalt  }
0x74: {  	_ =	shalt  }
0x75: {  	_ =	shalt  }
0x76: {  	_ =	shalt  }
0x77: {  	_ =	shalt  }
0x78: {  	_ =	shalt  }
0x79: {  	_ =	shalt  }
0x7a: {  	_ =	shalt  }
0x7b: {  	_ =	shalt  }
0x7c: {  	_ =	shalt  }
0x7d: {  	_ =	shalt  }
0x7e: {  	_ =	shalt  }
0x7f: {  	_ =	shalt  }
0x80: {  	_ =	shalt  }
0x81: {  	_ =	shalt  }
0x82: {  	_ =	shalt  }
0x83: {  	_ =	shalt  }
0x84: {  	_ =	shalt  }
0x85: {  	_ =	shalt  }
0x86: {  	_ =	shalt  }
0x87: {  	_ =	shalt  }
.Lfunc_end0:
.L_simem_size_0:
called_computation_lowered:
.L_overlay_start_0:
0x88: {  	s2 =	sld [smem:$0x3FD9]  }
0x89: {  	s3 =	sld [smem:$0x3FFE];
	_ =	sdelay $0x1  }
0x8a: {  	s1 =	srdreg.scid  }
0x8b: {  	s0 =	sand.u32 $0x1, s1  }
0x8c: {  	s17 =	sshll.u32 s0, $0xA;
	s2 =	sadd.s32 s3, s2  }
0x8d: {  	s2 =	sadd.s32 s2, s17  }
0x8e: {  	[smem:$0x3FBF] =	sst s2  }
0x8f: {  	_ = 	snop  }
0x90: {  	s2 =	sld [smem:$0x3FC9]  }
0x91: {  	s18 =	sld [smem:$0x3FC1];
	(tm) =	ssettm $0x1  }
0x92: {  	s4 =	sld [smem:$0x3FFB];
	_ =	sdelay $0x3  }
0x93: {  	_ =	strace s4  }
0x94: {  	s4 =	sld [smem:$0x3FFC];
	_ =	sdelay $0x3  }
0x95: {  	_ =	strace s4  }
0x96: {  	s4 =	sld [smem:$0x3FFD];
	_ =	sdelay $0x3  }
0x97: {  	_ =	strace s4  }
0x98: {  	_ =	strace $0x8FFFFFFF  }
0x99: {  	s19 =	sld [smem:$0x3FDB];
	_ =	sdelay $0x1  }
0x9a: {  	s5 =	simm.s32 $_scs_section_size  }
0x9b: {  	s6 =	simm.s32 $_size__tile_overlayer_lowered;
	s7 =	simm.s32 $_tile_overlayer_lowered  }
0x9c: {  	s22 =	simm.s32 $0x1BFF;
	s21 =	sshll.u32 s7, $0x1;
	s4 =	sadd.s32 s5, s19  }
0x9d: {  	s8 =	simm.s32 $0x0;
	s20 =	sshll.u32 s6, $0x1;
	s6 =	sadd.s32 s21, s4  }
0x9e: {  	[timem:s8], [sflag:s22] =	dma.local [hbm:s6], s20  }
0x9f: {  	_ =	swait.ge [sflag:s22], s20  }
0xa0: {  	s5 =	ssub.s32 $0x0, s20;
	[sflag:s22] =	ssyncset.done $0x0  }
0xa1: {  	[sflag:s22] =	ssyncadd.s32 s5;
	_ =	sdelay $0x1  }
0xa2: {  	s23 =	simm.s32 $0x1B8B  }
0xa3: {  	_ =	swait.ge [sflag:s23], $0x1  }
0xa4: {  	[sflag:s23] =	ssyncset.done $0x0  }
0xa5: {  	s25 =	simm.s32 $0x1B8E;
	s24 =	sld [smem:$0x3FFE];
	[sflag:s23] =	ssyncadd.s32 $0xFFFFFFFF  }
0xa6: {  	s26 =	simm.s32 $execute0_lowered;
	[smem:$0x3FD2] =	sst s25  }
0xa7: {  	s6 =	sshll.u32 s26, $0x1;
	_ =	strace $0x80000046;
	[dreg:$0x1] =	wrdreg $0xFFFFFFFF  }
0xa8: {  	s28 =	simm.s32 $_size_execute0_lowered;
	s4 =	sadd.s32 s4, s6;
	[dreg:$0x0] =	wrdreg $0x0  }
0xa9: {  	s6 =	sshll.u32 s28, $0x1;
	[dreg:$0x2] =	wrdreg s4  }
0xaa: {  	[dreg:$0x3] =	wrdreg s6  }
0xab: {  	[dreg:$0x4] =	wrdreg $0xC0  }
0xac: {  	_ =	task [dreg:s8], $0x5FFFF  }
0xad: {  	[dreg:$0x1] =	wrdreg $0xFFFFFFFF  }
0xae: {  	[dreg:$0x0] =	wrdreg $0x60  }
0xaf: {  	[dreg:$0x2] =	wrdreg s2  }
0xb0: {  	[dreg:$0x3] =	wrdreg s18  }
0xb1: {  	[dreg:$0x4] =	wrdreg s24  }
0xb2: {  	[dreg:$0x5] =	wrdreg $0x9  }
0xb3: {  	_ =	task.clear_ibuf [dreg:s8], $0x6FFFF;
	_ =	strace $0x90000046  }
0xb4: {  	s29 =	simm.s32 $0x9;
	_ =	strace $0x80000048  }
0xb5: {  	_ =	swait.ge [sflag:s29], $0x1  }
0xb6: {  	[sflag:s29] =	ssyncadd.s32 $0xFFFFFFFF  }
0xb7: {  	_ =	strace $0x90000048  }
0xb8: {  	_ =	sfence  }
0xb9: {  	s30 =	sld [smem:$0x0];
	_ =	sdelay $0x2  }
0xba: {  	s31 =	sshll.u32 s1, $0xD;
	s1 =	sshrl.u32 s1, $0x2  }
0xbb: {  	s3 =	sand.u32 $0x4000, s31;
	s1 =	sadd.s32 s1, s30  }
0xbc: {  	s0 =	sor.u32 s3, s0;
	s1 =	sshll.u32 s1, $0x11  }
0xbd: {  	s0 =	sor.u32 s1, s0  }
0xbe: {  	s0 =	sadd.s32 $0x8F2B, s0  }
0xbf: {  	[sflag:s0] =	ssyncadd.remote.s32 $0x1  }
0xc0: {  	_ =	sfence.sel $0xFFFF  }
0xc1: {  	[dreg:$0x0] =	wrdreg $0xFFFFFFFF;
	(pc) =	sbr.abs _section_cstart, $3  }
0xc2: {  	[dreg:$0x1] =	wrdreg $0xFFFFFFFF  }
0xc3: {  	_ =	task.clear_ibuf [dreg:s8], $0x2FFFF;
	_ =	strace $0x9FFFFFFF  }
0xc4: {  	(tm) =	ssettm $0x7FFFFFFF  }
0xc5: {  	_ =	shalt  }
tec
execute0_lowered:
.L_overlay_start_1:
0x0: {  	(tag) =	ssettag $0x1  }
0x1: {  	s3 =	rddreg [dreg:$0x0]  }
0x2: {  	s4 =	rddreg [dreg:$0x1]  }
0x3: {  	s5 =	rddreg [dreg:$0x2]  }
0x4: {  	s0 =	rddreg [dreg:$0x3];
	s2 =	simm.s32 $0x0;
	s6 =	srdreg.scid  }
0x5: {  	s1 =	stileid.u32;
	s9 =	simm.s32 $0x1000;
	s10 =	simm.s32 $0x5000  }
0x6: {  	s11 =	simm.s32 $0x2;
	s12 =	simm.s32 $0x0;
	s6 =	sand.u32 $0x1, s6  }
0x7: {  	v0 =	vlaneseq.u32;
	[smem:$0x7FF] =	sst s2;
	s7 =	sshll.u32 s1, $0x9;
	s8 =	sshll.u32 s6, $0x8  }
0x8: {  	v0 =	vand.u32 $0x7, v0;
	s6 =	ssub.s32 $0x2, s6;
	_ =	strace $0x80000047;
	s7 =	sor.u32 s8, s7  }
0x9: {  	v0 =	vmul.u32 $0x400, v0;
	s31 =	sshrl.u32 s6, $0x1;
	s8 =	simm.s32 $0x1;
	s5 =	sadd.s32 s7, s5  }
0xa: {  	vm0 =	vcmask $0x3F20;
	s6 =	ssub.s32 s6, s31;
	s3 =	sadd.s32 s3, s7;
	s4 =	sadd.s32 s4, s7  }
0xb: {  	v1 =	vimm.f32 $0.0e+00;
	v2 =	vimm.s32 $0x0;
	s7 =	simm.s32 $0x800;
	v3 =	vor.u32 $0x2000, v0;
	s5 =	sadd.s32 $0x1400, s5;
	s6 =	smax.u32 s6, $0x1  }
.LBB2_1:
0xc: {  	[tilespmem:s2], [sflag:$0x1] =	stream.linear.gather [hbm4b:s3+s2], $0x800, $0x38;
	[tilespmem:$0x5800] =	vst v63  }
0xd: {  	s13 =	simm.s32 $0x1080  }
0xe: {  	[tilespmem:s7], [sflag:$0x1] =	stream.linear.gather [hbm4b:s4+s2], $0x800, $0x38;
	[tilespmem:$0x5800] =	vst v63  }
0xf: {  	[tilespmem:s13+$0xFFFFFF80] =	vst v1  }
0x10: {  	[tilespmem:s13+$0x70] =	vst v1  }
0x11: {  	[tilespmem:s13+$0x60] =	vst v1  }
0x12: {  	[tilespmem:s13+$0x50] =	vst v1  }
0x13: {  	[tilespmem:s13+$0x40] =	vst v1  }
0x14: {  	[tilespmem:s13+$0x30] =	vst v1  }
0x15: {  	[tilespmem:s13+$0x20] =	vst v1  }
0x16: {  	[tilespmem:s13+$0x10] =	vst v1  }
0x17: {  	[tilespmem:s13+$0x0] =	vst v1  }
0x18: {  	[tilespmem:s13+$0xFFFFFFF0] =	vst v1  }
0x19: {  	[tilespmem:s13+$0xFFFFFFE0] =	vst v1  }
0x1a: {  	[tilespmem:s13+$0xFFFFFFD0] =	vst v1  }
0x1b: {  	[tilespmem:s13+$0xFFFFFFC0] =	vst v1  }
0x1c: {  	[tilespmem:s13+$0xFFFFFFB0] =	vst v1  }
0x1d: {  	s14 =	simm.s32 $0x0;
	[tilespmem:s13+$0xFFFFFFA0] =	vst v1  }
.LBB2_2:
0x1e: {  	s14 =	sadd.s32 $0x2, s14;
	[tilespmem:s13+$0xFFFFFF90] =	vst v1;
	s13 =	sadd.s32 $0x100, s13  }
0x1f: {  	[tilespmem:s13+$0xFFFFFF80] =	vst v1;
	p0 =	slt.u32 s14, $0x7E  }
0x20: {  	[tilespmem:s13+$0x70] =	vst v1  }
0x21: {  	[tilespmem:s13+$0x60] =	vst v1  }
0x22: {  	[tilespmem:s13+$0x50] =	vst v1  }
0x23: {  	[tilespmem:s13+$0x40] =	vst v1  }
0x24: {  	[tilespmem:s13+$0x30] =	vst v1  }
0x25: {  	[tilespmem:s13+$0x20] =	vst v1  }
0x26: {  	[tilespmem:s13+$0x10] =	vst v1  }
0x27: {  	[tilespmem:s13+$0x0] =	vst v1  }
0x28: {  	[tilespmem:s13+$0xFFFFFFF0] =	vst v1  }
.Ltmp0:
0x29: {  	[tilespmem:s13+$0xFFFFFFE0] =	vst v1;
	(pc) =	sbr.rel @p0 .LBB2_2-.Ltmp0, $4  }
0x2a: {  	[tilespmem:s13+$0xFFFFFFD0] =	vst v1  }
0x2b: {  	[tilespmem:s13+$0xFFFFFFC0] =	vst v1  }
0x2c: {  	[tilespmem:s13+$0xFFFFFFB0] =	vst v1  }
0x2d: {  	[tilespmem:s13+$0xFFFFFFA0] =	vst v1  }
0x2e: {  	[tilespmem:s13+$0xFFFFFF90] =	vst v1  }
0x2f: {  	_ =	swait.ge [sflag:s8], $0x800  }
0x30: {  	[sflag:s8] =	ssyncset.done $0x0  }
0x31: {  	[sflag:s8] =	ssyncadd.s32 $0xFFFFF800  }
0x32: {  	_ =	swait.ge [sflag:s8], $0x800  }
0x33: {  	[sflag:s8] =	ssyncset.done $0x0  }
0x34: {  	s14 =	simm.s32 $0x10;
	[sflag:s8] =	ssyncadd.s32 $0xFFFFF800  }
0x35: {  	v4 =	vld [tilespmem:s14+$0x0];
	_ =	sdelay $0x1  }
0x36: {  	s15 =	simm.s32 $0x810  }
0x37: {  	v7 =	vld [tilespmem:s15+$0x0];
	_ =	sdelay $0x1  }
0x38: {  	v5 =	vld [tilespmem:s14+$0xFFFFFFF0];
	v8 =	vand.u32 $0x7FFFFFFF, v4  }
0x39: {  	vm1 =	vgt.f32 v8, $9.999999930e-09;
	v8 =	vld [tilespmem:s15+$0xFFFFFFF0];
	_ =	sdelay $0x1  }
0x3a: {  	v6 =	vadd.s32 v0, v7  }
0x3b: {  	v7 =	vadd.s32 v3, v7  }
0x3c: {  	s16 =	simm.s32 $0x0;
	s17 =	simm.s32 $0x30;
	v10 =	vand.u32 $0x7FFFFFFF, v5;
	v9 =	vsel vm1, $0x3F800000, v2  }
.LBB2_4:
0x3d: {  	vm1 =	vgt.f32 v10, $9.999999930e-09;
	v10 =	vadd.s32 v0, v8;
	v11 =	vmul.f32 v9, v4;
	v4 =	vld [tilespmem:s17+$0x0];
	s15 =	sadd.s32 $0x20, s15  }
0x3e: {  	v14 =	vadd.s32 v3, v8;
	v12 =	vld [tilespmem:s15+$0x0];
	v13 =	vsel vm1, $0x3F800000, v2  }
0x3f: {  	v15 =	vmul.f32 v13, v5;
	[tilespmem:v6+s9+$0x0] =	vst.idx.add.f32.msk $0xff, v11  }
0x40: {  	[tilespmem:v7+s9+$0x0] =	vst.idx.add.f32.msk $0xff, v9  }
0x41: {  	[tilespmem:v6+s9+$0x0] =	vst.idx.add.f32.msk vm0, v11  }
0x42: {  	s13 =	simm.s32 $0x3010;
	s16 =	sadd.s32 $0x2, s16;
	[tilespmem:v7+s9+$0x0] =	vst.idx.add.f32.msk vm0, v9  }
0x43: {  	p0 =	slt.u32 s16, $0x7E;
	v5 =	vld [tilespmem:s17+$0xFFFFFFF0]  }
.Ltmp1:
0x44: {  	v8 =	vld [tilespmem:s15+$0xFFFFFFF0];
	(pc) =	sbr.rel @p0 .LBB2_4-.Ltmp1, $4  }
0x45: {  	[tilespmem:v10+s9+$0x0] =	vst.idx.add.f32.msk $0xff, v15  }
0x46: {  	v7 =	vand.u32 $0x7FFFFFFF, v4;
	v6 =	vadd.s32 v0, v12;
	[tilespmem:v14+s9+$0x0] =	vst.idx.add.f32.msk $0xff, v13  }
0x47: {  	vm1 =	vgt.f32 v7, $9.999999930e-09;
	v7 =	vadd.s32 v3, v12;
	[tilespmem:v10+s9+$0x0] =	vst.idx.add.f32.msk vm0, v15  }
0x48: {  	s17 =	sadd.s32 $0x20, s17;
	v9 =	vsel vm1, $0x3F800000, v2;
	v10 =	vand.u32 $0x7FFFFFFF, v5;
	[tilespmem:v14+s9+$0x0] =	vst.idx.add.f32.msk vm0, v13  }
0x49: {  	_ =	sdelay $0x1  }
0x4a: {  	v4 =	vmul.f32 v9, v4  }
0x4b: {  	v11 =	vadd.s32 v0, v8  }
0x4c: {  	vm1 =	vgt.f32 v10, $9.999999930e-09;
	v8 =	vadd.s32 v3, v8;
	[tilespmem:v6+s9+$0x0] =	vst.idx.add.f32.msk $0xff, v4  }
0x4d: {  	v10 =	vsel vm1, $0x3F800000, v2;
	[tilespmem:v7+s9+$0x0] =	vst.idx.add.f32.msk $0xff, v9  }
0x4e: {  	v5 =	vmul.f32 v10, v5;
	[tilespmem:v6+s9+$0x0] =	vst.idx.add.f32.msk vm0, v4  }
0x4f: {  	[tilespmem:v7+s9+$0x0] =	vst.idx.add.f32.msk vm0, v9  }
0x50: {  	[tilespmem:v11+s9+$0x0] =	vst.idx.add.f32.msk $0xff, v5  }
0x51: {  	[tilespmem:v8+s9+$0x0] =	vst.idx.add.f32.msk $0xff, v10  }
0x52: {  	s16 =	simm.s32 $0x0;
	[tilespmem:v11+s9+$0x0] =	vst.idx.add.f32.msk vm0, v5  }
0x53: {  	s15 =	sand.u32 $0x3E0, s16;
	[tilespmem:v8+s9+$0x0] =	vst.idx.add.f32.msk vm0, v10  }
0x54: {  	v4 =	vld [tilespmem:s15+$0x3000]  }
0x55: {  	v5 =	vld [tilespmem:s15+$0x3400]  }
0x56: {  	v6 =	vld [tilespmem:s15+$0x3800]  }
0x57: {  	v8 =	vld [tilespmem:s15+$0x3C00]  }
0x58: {  	v9 =	vld [tilespmem:s15+$0x4000]  }
0x59: {  	v10 =	vld [tilespmem:s15+$0x4400]  }
0x5a: {  	v11 =	vld [tilespmem:s15+$0x4800]  }
0x5b: {  	v12 =	vld [tilespmem:s13+$0xFFFFDFF0];
	v4 =	vadd.f32 $0.0e+00, v4  }
0x5c: {  	v13 =	vld [tilespmem:s15+$0x4C00]  }
0x5d: {  	v15 =	vld [tilespmem:s15+$0x1800];
	v7 =	vadd.f32 v5, v4  }
0x5e: {  	v16 =	vld [tilespmem:s13+$0xFFFFE000]  }
0x5f: {  	v17 =	vld [tilespmem:s13+$0x0];
	v14 =	vadd.f32 v6, v7  }
0x60: {  	v18 =	vld [tilespmem:s13+$0xFFFFE400]  }
0x61: {  	v4 =	vld [tilespmem:s15+$0x2C00];
	v14 =	vadd.f32 v8, v14  }
0x62: {  	v5 =	vld [tilespmem:s15+$0x2800]  }
0x63: {  	v9 =	vadd.f32 v9, v14;
	v14 =	vld [tilespmem:s15+$0x1400]  }
0x64: {  	v6 =	vld [tilespmem:s15+$0x2400]  }
0x65: {  	v7 =	vld [tilespmem:s15+$0x2000];
	v9 =	vadd.f32 v10, v9  }
0x66: {  	v8 =	vld [tilespmem:s15+$0x1C00];
	v10 =	vadd.f32 $0.0e+00, v12  }
0x67: {  	s15 =	simm.s32 $0x0;
	v12 =	vadd.f32 v11, v9;
	v11 =	vld [tilespmem:s13+$0x400]  }
0x68: {  	s17 =	sand.u32 $0x700, s15;
	v9 =	vld [tilespmem:s13+$0xFFFFE800];
	v14 =	vadd.f32 v14, v10  }
0x69: {  	s16 =	sand.u32 $0x60, s16;
	v19 =	vadd.f32 $0.0e+00, v16;
	s17 =	sor.u32 $0x5000, s17;
	v10 =	vld [tilespmem:s13+$0x800];
	v13 =	vadd.f32 v13, v12  }
0x6a: {  	s14 =	sand.u32 $0x70, s14;
	v16 =	vadd.f32 $0.0e+00, v17;
	s18 =	sor.u32 s16, s17;
	v12 =	vld [tilespmem:s13+$0xFFFFEC00];
	v14 =	vadd.f32 v15, v14  }
0x6b: {  	s16 =	simm.s32 $0x0;
	s14 =	sor.u32 s14, s17;
	s17 =	simm.s32 $0x30;
	v15 =	vadd.f32 v18, v19;
	[tilespmem:s18+$0x80] =	vst v13;
	v13 =	vld [tilespmem:s13+$0xC00]  }
.LBB2_6:
0x6c: {  	s21 =	sadd.s32 $0xFFFFFFF0, s17;
	s19 =	sand.u32 $0x70, s17;
	s16 =	sadd.s32 $0x2, s16;
	v8 =	vadd.f32 v8, v14;
	v11 =	vadd.f32 v11, v16;
	v14 =	vld [tilespmem:s13+$0xFFFFF000]  }
0x6d: {  	s20 =	sand.u32 $0x3E0, s21;
	p0 =	slt.u32 s16, $0x3E;
	v9 =	vadd.f32 v9, v15;
	v15 =	vld [tilespmem:s13+$0x1000]  }
0x6e: {  	v16 =	vld [tilespmem:s20+$0x3000];
	v7 =	vadd.f32 v7, v8;
	v8 =	vadd.f32 v10, v11  }
0x6f: {  	v9 =	vadd.f32 v12, v9;
	v10 =	vld [tilespmem:s13+$0xFFFFF400]  }
0x70: {  	v11 =	vld [tilespmem:s20+$0x3400];
	v6 =	vadd.f32 v6, v7;
	v7 =	vadd.f32 v13, v8  }
0x71: {  	v8 =	vadd.f32 v14, v9;
	v9 =	vld [tilespmem:s13+$0x1400]  }
0x72: {  	v12 =	vld [tilespmem:s20+$0x3800];
	v5 =	vadd.f32 v5, v6;
	v6 =	vadd.f32 v15, v7  }
0x73: {  	v7 =	vadd.f32 $0.0e+00, v16;
	v13 =	vld [tilespmem:s13+$0xFFFFF800]  }
0x74: {  	v14 =	vld [tilespmem:s20+$0x3C00];
	v4 =	vadd.f32 v4, v5;
	v5 =	vadd.f32 v10, v8  }
0x75: {  	v7 =	vadd.f32 v11, v7;
	v8 =	vld [tilespmem:s13+$0x1800]  }
0x76: {  	v10 =	vld [tilespmem:s20+$0x4000];
	[tilespmem:s18+$0x0] =	vst v4;
	v4 =	vadd.f32 v9, v6  }
0x77: {  	v6 =	vadd.f32 v12, v7;
	v7 =	vld [tilespmem:s13+$0xFFFFFC00]  }
0x78: {  	v9 =	vld [tilespmem:s20+$0x4400];
	v5 =	vadd.f32 v13, v5  }
0x79: {  	v6 =	vadd.f32 v14, v6;
	v11 =	vld [tilespmem:s13+$0x1C00]  }
0x7a: {  	s13 =	sadd.s32 $0x20, s13;
	v12 =	vld [tilespmem:s20+$0x4800];
	v8 =	vadd.f32 v8, v4  }
0x7b: {  	v13 =	vld [tilespmem:s13+$0xFFFFDFF0];
	v4 =	vadd.f32 v10, v6  }
0x7c: {  	v10 =	vld [tilespmem:s20+$0x4C00];
	v6 =	vadd.f32 v7, v5  }
0x7d: {  	v7 =	vadd.f32 v9, v4;
	v4 =	vld [tilespmem:s20+$0x2C00]  }
0x7e: {  	v5 =	vld [tilespmem:s20+$0x2800];
	v8 =	vadd.f32 v11, v8;
	[tilespmem:s14+$0x0] =	vst v6  }
0x7f: {  	s15 =	sadd.s32 $0x40, s15;
	v6 =	vld [tilespmem:s20+$0x2400];
	v9 =	vadd.f32 v12, v7  }
0x80: {  	s18 =	sand.u32 $0x700, s15;
	v12 =	vadd.f32 $0.0e+00, v13;
	v7 =	vld [tilespmem:s20+$0x2000];
	[tilespmem:s14+$0x80] =	vst v8  }
0x81: {  	s14 =	sand.u32 $0x60, s21;
	s21 =	sor.u32 $0x5000, s18;
	v8 =	vld [tilespmem:s20+$0x1C00];
	v9 =	vadd.f32 v10, v9  }
0x82: {  	s18 =	sor.u32 s14, s21;
	s14 =	sor.u32 s19, s21;
	v13 =	vld [tilespmem:s20+$0x1800]  }
0x83: {  	v10 =	vld [tilespmem:s20+$0x1400];
	[tilespmem:s18+$0x80] =	vst v9  }
0x84: {  	v14 =	vld [tilespmem:s13+$0xFFFFE000]  }
0x85: {  	v15 =	vld [tilespmem:s13+$0x0]  }
0x86: {  	v17 =	vld [tilespmem:s13+$0xFFFFE400]  }
.Ltmp2:
0x87: {  	v11 =	vld [tilespmem:s13+$0x400];
	(pc) =	sbr.rel @p0 .LBB2_6-.Ltmp2, $4  }
0x88: {  	v12 =	vadd.f32 v10, v12;
	v9 =	vld [tilespmem:s13+$0xFFFFE800]  }
0x89: {  	v18 =	vadd.f32 $0.0e+00, v14;
	v10 =	vld [tilespmem:s13+$0x800]  }
0x8a: {  	v14 =	vadd.f32 v13, v12;
	v16 =	vadd.f32 $0.0e+00, v15;
	v12 =	vld [tilespmem:s13+$0xFFFFEC00]  }
0x8b: {  	s17 =	sadd.s32 $0x20, s17;
	v15 =	vadd.f32 v17, v18;
	v13 =	vld [tilespmem:s13+$0xC00]  }
0x8c: {  	v11 =	vadd.f32 v11, v16;
	v51 =	vld [tilespmem:s13+$0xFFFFF000]  }
0x8d: {  	v52 =	vld [tilespmem:s13+$0x1000];
	v9 =	vadd.f32 v9, v15  }
0x8e: {  	v8 =	vadd.f32 v8, v14;
	v53 =	vld [tilespmem:s13+$0xFFFFF400];
	v10 =	vadd.f32 v10, v11  }
0x8f: {  	v54 =	vld [tilespmem:s13+$0x1400];
	v9 =	vadd.f32 v12, v9  }
0x90: {  	v56 =	vld [tilespmem:s13+$0xFFFFF800];
	v7 =	vadd.f32 v7, v8;
	v55 =	vadd.f32 v13, v10  }
0x91: {  	v57 =	vld [tilespmem:s13+$0x1800];
	v9 =	vadd.f32 v51, v9  }
0x92: {  	v59 =	vld [tilespmem:s13+$0xFFFFFC00];
	v6 =	vadd.f32 v6, v7;
	v58 =	vadd.f32 v52, v55  }
0x93: {  	v60 =	vld [tilespmem:s13+$0x1C00];
	v9 =	vadd.f32 v53, v9  }
0x94: {  	v5 =	vadd.f32 v5, v6;
	v61 =	vadd.f32 v54, v58  }
0x95: {  	v62 =	vadd.f32 v56, v9  }
0x96: {  	v4 =	vadd.f32 v4, v5;
	v5 =	vadd.f32 v57, v61  }
0x97: {  	v63 =	vadd.f32 v59, v62  }
0x98: {  	s12 =	sadd.s32 $0x1, s12;
	[tilespmem:s18+$0x0] =	vst v4;
	v4 =	vadd.f32 v60, v5  }
0x99: {  	p0 =	sne.s32 s12, s6;
	[tilespmem:s14+$0x0] =	vst v63  }
.Ltmp3:
0x9a: {  	[tilespmem:s14+$0x80] =	vst v4;
	(pc) =	sbr.rel @p0 .LBB2_1-.Ltmp3, $4  }
0x9b: {  	[hbm4b:s5+s2] =	stream.linear.scatter [tilespmem:s10], [sflag:$0x2], $0x800, $0x38;
	[tilespmem:$0x5800] =	vst v63  }
0x9c: {  	_ =	swait.ge [sflag:s11], $0x800  }
0x9d: {  	[sflag:s11] =	ssyncset.done $0x0  }
0x9e: {  	[sflag:s11] =	ssyncadd.s32 $0xFFFFF800  }
0x9f: {  	_ =	sfence.sel $0x180000  }
0xa0: {  	[bflag:$0x0] =	sbarrier.arrive $0xFFFF  }
0xa1: {  	p0 =	sne.s32 s1, $0x0;
	_ =	strace $0x90000047  }
0xa2: {  	s0 =	sadd.s32 @!p0 $0x100000, s0;
	[bflag:$0x2] =	sbarrier.arrive $0xFFFF  }
0xa3: {  	[sflag:s0] =	ssyncadd.tile.s32 @!p0 $0x1;
	_ =	shalt  }
.Lfunc_end2:
_tile_overlayer_lowered:
.L_overlay_start_2:
0xa4: {  	(tag) =	ssettag $0x2  }
0xa5: {  	s0 =	rddreg [dreg:$0x0];
	s2 =	stileid.u32  }
0xa6: {  	s1 =	rddreg [dreg:$0x1];
	p0 =	sne.s32 s2, $0x0  }
0xa7: {  	s3 =	rddreg [dreg:$0x2];
	[bflag:$0x3] =	sbarrier.arrive $0xFFFF;
	s2 =	simm.s32 @!p0 $0x1C02  }
0xa8: {  	[timem:s3], [sflag:s2] =	dma.local @!p0 [hbm:s0], s1  }
0xa9: {  	s0 =	simm.s32 @!p0 $0x2  }
0xaa: {  	_ =	swait.ge @!p0 [sflag:s0], s1  }
0xab: {  	s1 =	ssub.s32 @!p0 $0x0, s1;
	[sflag:s0] =	ssyncset.done @!p0 $0x0  }
0xac: {  	[sflag:s0] =	ssyncadd.s32 @!p0 s1  }
0xad: {  	[bflag:$0x3] =	sbarrier.arrive $0xFFFF  }
0xae: {  	_ =	shalt  }

</sc_bundles>
